<compile_context>
chip_gen: v7x
topology: tpu7x:2x2x1
jax: 0.10.2.dev20260603
libtpu: 0.0.44.dev20260713+nightly
codegen_flags: <defaults>
</compile_context>

<pallas_src>
import jax
import jax.numpy as jnp
from jax import lax
from jax.experimental import pallas as pl
from jax.experimental.pallas import tpu as pltpu
from jax.experimental.pallas import tpu_sc as plsc

f32 = jnp.float32

N, E, D, H, DE = 10000, 320000, 128, 128, 16
NC, NS = 2, 16
NW = NC * NS
EW = E // NW
TB = 200
NB = EW // TB
RPT = 624
RTL = N - RPT * NS
TD = 200
ND = EW // TD


def _silu(x):
    return x * jax.nn.sigmoid(x)


def _prep_body(h_ref, wa_ref, wb_ref, hw1_ref, hw2_ref):
    hblk = h_ref[...]
    hw1_ref[...] = jnp.dot(hblk, wa_ref[...], preferred_element_type=f32)
    hw2_ref[...] = jnp.dot(hblk, wb_ref[...], preferred_element_type=f32)


def _prep(h, wa, wb):
    TN = 2000
    return pl.pallas_call(
        _prep_body,
        grid=(N // TN,),
        in_specs=[pl.BlockSpec((TN, D), lambda i: (i, 0)),
                  pl.BlockSpec((D, H), lambda i: (0, 0)),
                  pl.BlockSpec((D, H), lambda i: (0, 0))],
        out_specs=[pl.BlockSpec((TN, H), lambda i: (i, 0)),
                   pl.BlockSpec((TN, H), lambda i: (i, 0))],
        out_shape=[jax.ShapeDtypeStruct((N, H), f32),
                   jax.ShapeDtypeStruct((N, H), f32)],
    )(h, wa, wb)


def _gather_body(row_hbm, col_hbm, hw1_hbm, hw2_hbm, cp_hbm,
                 xa_hbm, xb_hbm, cr_hbm, cc_hbm,
                 ir0, ic0, xa0, xb0, cr0, cc0,
                 ir1, ic1, xa1, xb1, cr1, cc1,
                 sa0, sb0, sr0, sc0, sa1, sb1, sr1, sc1):
    wid = lax.axis_index("s") * NC + lax.axis_index("c")
    bufs = ((ir0, ic0, xa0, xb0, cr0, cc0, sa0, sb0, sr0, sc0),
            (ir1, ic1, xa1, xb1, cr1, cc1, sa1, sb1, sr1, sc1))

    def issue(i, buf):
        (ir, ic, xa, xb, cr, cc, sa, sb, sr, sc) = buf
        base = pl.multiple_of(wid * EW + i * TB, 8)
        pltpu.sync_copy(row_hbm.at[pl.ds(base, TB)], ir)
        pltpu.sync_copy(col_hbm.at[pl.ds(base, TB)], ic)
        pltpu.async_copy(hw1_hbm.at[ir], xa, sa)
        pltpu.async_copy(hw2_hbm.at[ic], xb, sb)
        pltpu.async_copy(cp_hbm.at[ir], cr, sr)
        pltpu.async_copy(cp_hbm.at[ic], cc, sc)

    def drain(i, buf):
        (ir, ic, xa, xb, cr, cc, sa, sb, sr, sc) = buf
        base = pl.multiple_of(wid * EW + i * TB, 8)
        pltpu.make_async_copy(hw1_hbm.at[ir], xa, sa).wait()
        pltpu.make_async_copy(hw2_hbm.at[ic], xb, sb).wait()
        pltpu.make_async_copy(cp_hbm.at[ir], cr, sr).wait()
        pltpu.make_async_copy(cp_hbm.at[ic], cc, sc).wait()
        pltpu.sync_copy(xa, xa_hbm.at[pl.ds(base, TB)])
        pltpu.sync_copy(xb, xb_hbm.at[pl.ds(base, TB)])
        pltpu.sync_copy(cr, cr_hbm.at[pl.ds(base, TB)])
        pltpu.sync_copy(cc, cc_hbm.at[pl.ds(base, TB)])

    issue(0, bufs[0])

    def pair(g, carry):
        issue(2 * g + 1, bufs[1])
        drain(2 * g, bufs[0])
        issue(2 * g + 2, bufs[0])
        drain(2 * g + 1, bufs[1])
        return carry

    lax.fori_loop(0, NB // 2 - 1, pair, 0)
    issue(NB - 1, bufs[1])
    drain(NB - 2, bufs[0])
    drain(NB - 1, bufs[1])


def _gather(row, col, hw1, hw2, cpad):
    mesh = plsc.VectorSubcoreMesh(core_axis_name="c", subcore_axis_name="s")
    i32 = jnp.int32
    return pl.kernel(
        _gather_body,
        compiler_params=pltpu.CompilerParams(use_tc_tiling_on_sc=False),
        out_type=[jax.ShapeDtypeStruct((E, H), f32),
                  jax.ShapeDtypeStruct((E, H), f32),
                  jax.ShapeDtypeStruct((E, 16), f32),
                  jax.ShapeDtypeStruct((E, 16), f32)],
        mesh=mesh,
        scratch_types=[pltpu.VMEM((TB,), i32), pltpu.VMEM((TB,), i32),
                       pltpu.VMEM((TB, H), f32), pltpu.VMEM((TB, H), f32),
                       pltpu.VMEM((TB, 16), f32), pltpu.VMEM((TB, 16), f32),
                       pltpu.VMEM((TB,), i32), pltpu.VMEM((TB,), i32),
                       pltpu.VMEM((TB, H), f32), pltpu.VMEM((TB, H), f32),
                       pltpu.VMEM((TB, 16), f32), pltpu.VMEM((TB, 16), f32),
                       pltpu.SemaphoreType.DMA, pltpu.SemaphoreType.DMA,
                       pltpu.SemaphoreType.DMA, pltpu.SemaphoreType.DMA,
                       pltpu.SemaphoreType.DMA, pltpu.SemaphoreType.DMA,
                       pltpu.SemaphoreType.DMA, pltpu.SemaphoreType.DMA],
    )(row, col, hw1, hw2, cpad)


TEDGE = 2560


def _edge_body(xa_ref, xb_ref, cr_ref, cc_ref, eat_ref,
               wea_ref, wr_ref, b1_ref, w2_ref, b2_ref,
               wc1_ref, bc1_ref, wc2_ref, bc2_ref,
               ef_ref, t16_ref):
    cd = cr_ref[...] - cc_ref[...]
    radial = jnp.sum(cd * cd, axis=1, keepdims=True)
    x = (xa_ref[...] + xb_ref[...]
         + radial * wr_ref[...]
         + lax.dot_general(eat_ref[...], wea_ref[...],
                           (((0,), (0,)), ((), ())),
                           preferred_element_type=f32)
         + b1_ref[...])
    m = _silu(x)
    y = jnp.dot(m, w2_ref[...], preferred_element_type=f32) + b2_ref[...]
    ef = _silu(y)
    z = jnp.dot(ef, wc1_ref[...], preferred_element_type=f32) + bc1_ref[...]
    ch = _silu(z)
    scale = jnp.sum(ch * wc2_ref[...], axis=1, keepdims=True) + bc2_ref[...]
    lane = lax.broadcasted_iota(jnp.int32, (TEDGE, 16), 1)
    ef_ref[...] = ef
    t16_ref[...] = cd * scale + (lane == 3).astype(f32)


def _edge(xa, xb, cr, cc, eat, wea, wr, b1, w2, b2, wc1, bc1, wc2, bc2):
    wfull = lambda shape: pl.BlockSpec(shape, lambda i: (0, 0))
    return pl.pallas_call(
        _edge_body,
        grid=(E // TEDGE,),
        in_specs=[pl.BlockSpec((TEDGE, H), lambda i: (i, 0)),
                  pl.BlockSpec((TEDGE, H), lambda i: (i, 0)),
                  pl.BlockSpec((TEDGE, 16), lambda i: (i, 0)),
                  pl.BlockSpec((TEDGE, 16), lambda i: (i, 0)),
                  pl.BlockSpec((DE, TEDGE), lambda i: (0, i)),
                  wfull((DE, H)), wfull((1, H)), wfull((1, H)),
                  wfull((H, H)), wfull((1, H)),
                  wfull((H, H)), wfull((1, H)),
                  wfull((1, H)), wfull((1, 1))],
        out_specs=[pl.BlockSpec((TEDGE, H), lambda i: (i, 0)),
                   pl.BlockSpec((TEDGE, 16), lambda i: (i, 0))],
        out_shape=[jax.ShapeDtypeStruct((E, H), f32),
                   jax.ShapeDtypeStruct((E, 16), f32)],
    )(xa, xb, cr, cc, eat, wea, wr, b1, w2, b2, wc1, bc1, wc2, bc2)


def _scatter_body(row_hbm, ef_hbm, t16_hbm, z128_hbm, z16_hbm,
                  pagg_hbm, pt16_hbm,
                  agg_sh, t_sh, idx_v, ef_v, t_v, s0, s1):
    cid = lax.axis_index("c")
    sid = lax.axis_index("s")
    r0 = pl.multiple_of(sid * RPT, 8)
    pltpu.sync_copy(z128_hbm.at[pl.ds(r0, RPT)], agg_sh.at[pl.ds(r0, RPT)])
    pltpu.sync_copy(z16_hbm.at[pl.ds(r0, RPT)], t_sh.at[pl.ds(r0, RPT)])

    @pl.when(sid == NS - 1)
    def _():
        t0 = RPT * NS
        pltpu.sync_copy(z128_hbm.at[pl.ds(t0, RTL)], agg_sh.at[pl.ds(t0, RTL)])
        pltpu.sync_copy(z16_hbm.at[pl.ds(t0, RTL)], t_sh.at[pl.ds(t0, RTL)])

    plsc.subcore_barrier()

    def step(i, carry):
        base = pl.multiple_of((cid * NS + sid) * EW + i * TD, 8)
        pltpu.sync_copy(row_hbm.at[pl.ds(base, TD)], idx_v)
        c0 = pltpu.async_copy(ef_hbm.at[pl.ds(base, TD)], ef_v, s0)
        c1 = pltpu.async_copy(t16_hbm.at[pl.ds(base, TD)], t_v, s1)
        c0.wait()
        c1.wait()
        pltpu.sync_copy(ef_v, agg_sh.at[idx_v], add=True)
        pltpu.sync_copy(t_v, t_sh.at[idx_v], add=True)
        return carry

    lax.fori_loop(0, ND, step, 0)
    plsc.subcore_barrier()
    pltpu.sync_copy(agg_sh.at[pl.ds(r0, RPT)], pagg_hbm.at[cid, pl.ds(r0, RPT)])
    pltpu.sync_copy(t_sh.at[pl.ds(r0, RPT)], pt16_hbm.at[cid, pl.ds(r0, RPT)])

    @pl.when(sid == NS - 1)
    def _():
        t0 = RPT * NS
        pltpu.sync_copy(agg_sh.at[pl.ds(t0, RTL)], pagg_hbm.at[cid, pl.ds(t0, RTL)])
        pltpu.sync_copy(t_sh.at[pl.ds(t0, RTL)], pt16_hbm.at[cid, pl.ds(t0, RTL)])


def _scatter(row, ef, t16, z128, z16):
    mesh = plsc.VectorSubcoreMesh(core_axis_name="c", subcore_axis_name="s")
    return pl.kernel(
        _scatter_body,
        compiler_params=pltpu.CompilerParams(use_tc_tiling_on_sc=False),
        out_type=[jax.ShapeDtypeStruct((NC, N, H), f32),
                  jax.ShapeDtypeStruct((NC, N, 16), f32)],
        mesh=mesh,
        scratch_types=[pltpu.VMEM_SHARED((N, H), f32),
                       pltpu.VMEM_SHARED((N, 16), f32),
                       pltpu.VMEM((TD,), jnp.int32),
                       pltpu.VMEM((TD, H), f32),
                       pltpu.VMEM((TD, 16), f32),
                       pltpu.SemaphoreType.DMA,
                       pltpu.SemaphoreType.DMA],
    )(row, ef, t16, z128, z16)


TNODE = 2000


def _node_body(h_ref, pa0_ref, pa1_ref, pt0_ref, pt1_ref, cp_ref,
               wna_ref, wnb_ref, b1_ref, w2_ref, b2_ref,
               ho_ref, cn_ref):
    agg = pa0_ref[...] + pa1_ref[...]
    t16 = pt0_ref[...] + pt1_ref[...]
    cnt = jnp.clip(t16[:, 3:4], 1.0, None)
    lane = lax.broadcasted_iota(jnp.int32, (TNODE, 16), 1)
    cn_ref[...] = cp_ref[...] + jnp.where(lane < 3, t16 / cnt, 0.0)
    x = (jnp.dot(h_ref[...], wna_ref[...], preferred_element_type=f32)
         + jnp.dot(agg, wnb_ref[...], preferred_element_type=f32)
         + b1_ref[...])
    nh = _silu(x)
    ho_ref[...] = jnp.dot(nh, w2_ref[...], preferred_element_type=f32) + b2_ref[...]


def _node(h, pa0, pa1, pt0, pt1, cpad, wna, wnb, b1, w2, b2):
    wfull = lambda shape: pl.BlockSpec(shape, lambda i: (0, 0))
    return pl.pallas_call(
        _node_body,
        grid=(N // TNODE,),
        in_specs=[pl.BlockSpec((TNODE, D), lambda i: (i, 0)),
                  pl.BlockSpec((TNODE, H), lambda i: (i, 0)),
                  pl.BlockSpec((TNODE, H), lambda i: (i, 0)),
                  pl.BlockSpec((TNODE, 16), lambda i: (i, 0)),
                  pl.BlockSpec((TNODE, 16), lambda i: (i, 0)),
                  pl.BlockSpec((TNODE, 16), lambda i: (i, 0)),
                  wfull((D, H)), wfull((H, H)), wfull((1, H)),
                  wfull((H, D)), wfull((1, D))],
        out_specs=[pl.BlockSpec((TNODE, D), lambda i: (i, 0)),
                   pl.BlockSpec((TNODE, 16), lambda i: (i, 0))],
        out_shape=[jax.ShapeDtypeStruct((N, D), f32),
                   jax.ShapeDtypeStruct((N, 16), f32)],
    )(h, pa0, pa1, pt0, pt1, cpad, wna, wnb, b1, w2, b2)


def kernel(h, edge_index, coord, edge_attr,
           We1, be1, We2, be2, Wn1, bn1, Wn2, bn2, Wc1, bc1, Wc2, bc2):
    row = edge_index[0]
    col = edge_index[1]
    cpad = jnp.pad(coord, ((0, 0), (0, 13)))

    hw1, hw2 = _prep(h, We1[:D], We1[D:2 * D])
    xa, xb, cr, cc = _gather(row, col, hw1, hw2, cpad)

    ef, t16 = _edge(xa, xb, cr, cc, edge_attr.T,
                    We1[2 * D + 1:], We1[2 * D].reshape(1, H),
                    be1.reshape(1, H), We2, be2.reshape(1, H),
                    Wc1, bc1.reshape(1, H), Wc2.reshape(1, H),
                    bc2.reshape(1, 1))

    z128 = jnp.zeros((N, H), f32)
    z16 = jnp.zeros((N, 16), f32)
    pagg, pt16 = _scatter(row, ef, t16, z128, z16)

    ho, cn = _node(h, pagg[0], pagg[1], pt16[0], pt16[1], cpad,
                   Wn1[:D], Wn1[D:], bn1.reshape(1, H), Wn2,
                   bn2.reshape(1, D))
    return (ho, cn[:, :3], edge_attr)

# --- scband reference (transcript-rebuilt; emitter-appended) ---
"""Pipeline reference for scband-e-gcl-20607253086819 (READ-ONLY COPY).

The authoritative reference and input builder live on the scoring server;
editing this copy changes nothing except your own understanding.
"""

import jax, jax.numpy as jnp
import numpy as np

N = 10000
E = 320000
D = 128
H = 128
DE = 16


def setup_inputs(seed: int = 0):
    key = jax.random.key(seed)
    ks = jax.random.split(key, 16)
    h = jax.random.normal(ks[0], (N, D), dtype=jnp.float32)
    edge_index = jax.random.randint(ks[1], (2, E), 0, N, dtype=jnp.int32)
    coord = jax.random.normal(ks[2], (N, 3), dtype=jnp.float32)
    edge_attr = jax.random.normal(ks[3], (E, DE), dtype=jnp.float32)
    We1 = jax.random.normal(ks[4], (2 * D + 1 + DE, H), dtype=jnp.float32) * 0.05
    be1 = jnp.zeros((H,), jnp.float32)
    We2 = jax.random.normal(ks[5], (H, H), dtype=jnp.float32) * 0.05
    be2 = jnp.zeros((H,), jnp.float32)
    Wn1 = jax.random.normal(ks[6], (H + D, H), dtype=jnp.float32) * 0.05
    bn1 = jnp.zeros((H,), jnp.float32)
    Wn2 = jax.random.normal(ks[7], (H, D), dtype=jnp.float32) * 0.05
    bn2 = jnp.zeros((D,), jnp.float32)
    Wc1 = jax.random.normal(ks[8], (H, H), dtype=jnp.float32) * 0.05
    bc1 = jnp.zeros((H,), jnp.float32)
    Wc2 = jax.random.normal(ks[9], (H, 1), dtype=jnp.float32) * 0.001
    bc2 = jnp.zeros((1,), jnp.float32)
    return {"h": h, "edge_index": edge_index, "coord": coord, "edge_attr": edge_attr,
            "We1": We1, "be1": be1, "We2": We2, "be2": be2,
            "Wn1": Wn1, "bn1": bn1, "Wn2": Wn2, "bn2": bn2,
            "Wc1": Wc1, "bc1": bc1, "Wc2": Wc2, "bc2": bc2}


def reference(h, edge_index, coord, edge_attr, We1, be1, We2, be2, Wn1, bn1, Wn2, bn2, Wc1, bc1, Wc2, bc2):
    row = edge_index[0]
    col = edge_index[1]
    n = h.shape[0]
    # coord2radial
    coord_diff = coord[row] - coord[col]
    radial = jnp.sum(coord_diff ** 2, axis=1, keepdims=True)
    # edge_model
    e_in = jnp.concatenate([h[row], h[col], radial, edge_attr], axis=1)
    m = jax.nn.silu(jnp.dot(e_in, We1) + be1)
    edge_feat = jax.nn.silu(jnp.dot(m, We2) + be2)
    # coord_model (coords_agg='mean')
    c_hidden = jax.nn.silu(jnp.dot(edge_feat, Wc1) + bc1)
    scale = jnp.dot(c_hidden, Wc2) + bc2
    trans = coord_diff * scale
    s = jax.ops.segment_sum(trans, row, num_segments=n)
    cnt = jax.ops.segment_sum(jnp.ones_like(trans), row, num_segments=n)
    agg_c = s / jnp.clip(cnt, 1.0, None)
    coord_new = coord + agg_c
    # node_model (node_attr is None; residual not applied in given forward)
    agg = jax.ops.segment_sum(edge_feat, row, num_segments=n)
    n_in = jnp.concatenate([h, agg], axis=1)
    nh = jax.nn.silu(jnp.dot(n_in, Wn1) + bn1)
    h_out = jnp.dot(nh, Wn2) + bn2
    return (h_out, coord_new, edge_attr)

if __name__ == "__main__":
    import jax
    _d = setup_inputs()
    print(jax.jit(kernel)(*tuple(_d.values())))

</pallas_src>

<mosaic_0001>
#map = affine_map<(d0, d1) -> (0)>
#map1 = affine_map<(d0, d1) -> (0, 0)>
module attributes {stable_mosaic.version = 14 : i64} {
  func.func @_gather_body(%arg0: i32, %arg1: i32, %arg2: memref<320000xi32, #tpu.memory_space<hbm>>, %arg3: memref<320000xi32, #tpu.memory_space<hbm>>, %arg4: memref<10000x128xf32, #tpu.memory_space<hbm>>, %arg5: memref<10000x128xf32, #tpu.memory_space<hbm>>, %arg6: memref<10000x16xf32, #tpu.memory_space<hbm>>, %arg7: memref<320000x128xf32, #tpu.memory_space<hbm>>, %arg8: memref<320000x128xf32, #tpu.memory_space<hbm>>, %arg9: memref<320000x16xf32, #tpu.memory_space<hbm>>, %arg10: memref<320000x16xf32, #tpu.memory_space<hbm>>, %arg11: memref<200xi32, #tpu.memory_space<vmem>>, %arg12: memref<200xi32, #tpu.memory_space<vmem>>, %arg13: memref<200x128xf32, #tpu.memory_space<vmem>>, %arg14: memref<200x128xf32, #tpu.memory_space<vmem>>, %arg15: memref<200x16xf32, #tpu.memory_space<vmem>>, %arg16: memref<200x16xf32, #tpu.memory_space<vmem>>, %arg17: memref<200xi32, #tpu.memory_space<vmem>>, %arg18: memref<200xi32, #tpu.memory_space<vmem>>, %arg19: memref<200x128xf32, #tpu.memory_space<vmem>>, %arg20: memref<200x128xf32, #tpu.memory_space<vmem>>, %arg21: memref<200x16xf32, #tpu.memory_space<vmem>>, %arg22: memref<200x16xf32, #tpu.memory_space<vmem>>, %arg23: memref<!tpu.dma_semaphore, #tpu.memory_space<semaphore_mem>>, %arg24: memref<!tpu.dma_semaphore, #tpu.memory_space<semaphore_mem>>, %arg25: memref<!tpu.dma_semaphore, #tpu.memory_space<semaphore_mem>>, %arg26: memref<!tpu.dma_semaphore, #tpu.memory_space<semaphore_mem>>, %arg27: memref<!tpu.dma_semaphore, #tpu.memory_space<semaphore_mem>>, %arg28: memref<!tpu.dma_semaphore, #tpu.memory_space<semaphore_mem>>, %arg29: memref<!tpu.dma_semaphore, #tpu.memory_space<semaphore_mem>>, %arg30: memref<!tpu.dma_semaphore, #tpu.memory_space<semaphore_mem>>) attributes {dimension_semantics = [#tpu.dimension_semantics<core_parallel>, #tpu.dimension_semantics<subcore_parallel>], iteration_bounds = array<i64: 2, 16>, scalar_prefetch = 0 : i64, scratch_operands = 20 : i64, tpu.core_type = #tpu.core_type<sc_vector_subcore>, window_params = [{transform_indices = #map}, {transform_indices = #map}, {transform_indices = #map1}, {transform_indices = #map1}, {transform_indices = #map1}, {transform_indices = #map1}, {transform_indices = #map1}, {transform_indices = #map1}, {transform_indices = #map1}]} {
    %mul3A = arith.constant 2 : i32
    %mul3A_0 = arith.muli %arg1, %mul3A : i32
    %add3A = arith.addi %mul3A_0, %arg0 : i32
    %mul3A_1 = arith.constant 10000 : i32
    %mul3A_2 = arith.muli %add3A, %mul3A_1 : i32
    %add3A_3 = arith.constant 0 : i32
    %add3A_4 = arith.addi %mul3A_2, %add3A_3 : i32
    %multiple_of3A = tpu.assume_multiple %add3A_4, 8 : i32
    "tpu.region"() ({
      %run_scoped3A = tpu.sem_alloc : memref<!tpu.dma_semaphore, #tpu.memory_space<semaphore_mem>>
      %dma_start3A_71 = tpu.memref_slice %arg2[%multiple_of3A] : memref<320000xi32, #tpu.memory_space<hbm>> -> memref<200xi32, #tpu.memory_space<hbm>>
      %dma_start3A_72 = tpu.memref_slice %arg2[%multiple_of3A] : memref<320000xi32, #tpu.memory_space<hbm>> -> memref<200xi32, #tpu.memory_space<hbm>>
      tpu.enqueue_dma source(%dma_start3A_72 : memref<200xi32, #tpu.memory_space<hbm>>) target(%arg11 : memref<200xi32, #tpu.memory_space<vmem>>) target_semaphore(%run_scoped3A : memref<!tpu.dma_semaphore, #tpu.memory_space<semaphore_mem>>)
      %dma_wait3A_73 = tpu.memref_slice %arg2[%multiple_of3A] : memref<320000xi32, #tpu.memory_space<hbm>> -> memref<200xi32, #tpu.memory_space<hbm>>
      %dma_wait3A_74 = tpu.memref_slice %arg2[%multiple_of3A] : memref<320000xi32, #tpu.memory_space<hbm>> -> memref<200xi32, #tpu.memory_space<hbm>>
      tpu.wait_dma2 semaphore(%run_scoped3A : memref<!tpu.dma_semaphore, #tpu.memory_space<semaphore_mem>>) src(%dma_wait3A_74 : memref<200xi32, #tpu.memory_space<hbm>>) dst(%arg11 : memref<200xi32, #tpu.memory_space<vmem>>)
      tpu.yield
    }) : () -> ()
    "tpu.region"() ({
      %run_scoped3A = tpu.sem_alloc : memref<!tpu.dma_semaphore, #tpu.memory_space<semaphore_mem>>
      %dma_start3A_71 = tpu.memref_slice %arg3[%multiple_of3A] : memref<320000xi32, #tpu.memory_space<hbm>> -> memref<200xi32, #tpu.memory_space<hbm>>
      %dma_start3A_72 = tpu.memref_slice %arg3[%multiple_of3A] : memref<320000xi32, #tpu.memory_space<hbm>> -> memref<200xi32, #tpu.memory_space<hbm>>
      tpu.enqueue_dma source(%dma_start3A_72 : memref<200xi32, #tpu.memory_space<hbm>>) target(%arg12 : memref<200xi32, #tpu.memory_space<vmem>>) target_semaphore(%run_scoped3A : memref<!tpu.dma_semaphore, #tpu.memory_space<semaphore_mem>>)
      %dma_wait3A_73 = tpu.memref_slice %arg3[%multiple_of3A] : memref<320000xi32, #tpu.memory_space<hbm>> -> memref<200xi32, #tpu.memory_space<hbm>>
      %dma_wait3A_74 = tpu.memref_slice %arg3[%multiple_of3A] : memref<320000xi32, #tpu.memory_space<hbm>> -> memref<200xi32, #tpu.memory_space<hbm>>
      tpu.wait_dma2 semaphore(%run_scoped3A : memref<!tpu.dma_semaphore, #tpu.memory_space<semaphore_mem>>) src(%dma_wait3A_74 : memref<200xi32, #tpu.memory_space<hbm>>) dst(%arg12 : memref<200xi32, #tpu.memory_space<vmem>>)
      tpu.yield
    }) : () -> ()
    %dma_start3A = arith.constant 0 : i32
    %dma_start3A_5 = arith.constant 0 : i32
    %dma_start3A_6 = tpu.memref_slice %arg4[%dma_start3A, %dma_start3A_5] : memref<10000x128xf32, #tpu.memory_space<hbm>> -> memref<10000x128xf32, #tpu.memory_space<hbm>>
    tpu.enqueue_indirect_dma source(%dma_start3A_6 : memref<10000x128xf32, #tpu.memory_space<hbm>>) target(%arg13 : memref<200x128xf32, #tpu.memory_space<vmem>>) offsets(%arg11 : memref<200xi32, #tpu.memory_space<vmem>>) semaphore(%arg23 : memref<!tpu.dma_semaphore, #tpu.memory_space<semaphore_mem>>)
    %dma_start3A_7 = arith.constant 0 : i32
    %dma_start3A_8 = arith.constant 0 : i32
    %dma_start3A_9 = tpu.memref_slice %arg5[%dma_start3A_7, %dma_start3A_8] : memref<10000x128xf32, #tpu.memory_space<hbm>> -> memref<10000x128xf32, #tpu.memory_space<hbm>>
    tpu.enqueue_indirect_dma source(%dma_start3A_9 : memref<10000x128xf32, #tpu.memory_space<hbm>>) target(%arg14 : memref<200x128xf32, #tpu.memory_space<vmem>>) offsets(%arg12 : memref<200xi32, #tpu.memory_space<vmem>>) semaphore(%arg24 : memref<!tpu.dma_semaphore, #tpu.memory_space<semaphore_mem>>)
    %dma_start3A_10 = arith.constant 0 : i32
    %dma_start3A_11 = arith.constant 0 : i32
    %dma_start3A_12 = tpu.memref_slice %arg6[%dma_start3A_10, %dma_start3A_11] : memref<10000x16xf32, #tpu.memory_space<hbm>> -> memref<10000x16xf32, #tpu.memory_space<hbm>>
    tpu.enqueue_indirect_dma source(%dma_start3A_12 : memref<10000x16xf32, #tpu.memory_space<hbm>>) target(%arg15 : memref<200x16xf32, #tpu.memory_space<vmem>>) offsets(%arg11 : memref<200xi32, #tpu.memory_space<vmem>>) semaphore(%arg25 : memref<!tpu.dma_semaphore, #tpu.memory_space<semaphore_mem>>)
    %dma_start3A_13 = arith.constant 0 : i32
    %dma_start3A_14 = arith.constant 0 : i32
    %dma_start3A_15 = tpu.memref_slice %arg6[%dma_start3A_13, %dma_start3A_14] : memref<10000x16xf32, #tpu.memory_space<hbm>> -> memref<10000x16xf32, #tpu.memory_space<hbm>>
    tpu.enqueue_indirect_dma source(%dma_start3A_15 : memref<10000x16xf32, #tpu.memory_space<hbm>>) target(%arg16 : memref<200x16xf32, #tpu.memory_space<vmem>>) offsets(%arg12 : memref<200xi32, #tpu.memory_space<vmem>>) semaphore(%arg26 : memref<!tpu.dma_semaphore, #tpu.memory_space<semaphore_mem>>)
    %scan3A = arith.constant 0 : i32
    %scan3A_16 = arith.constant 0 : i32
    %scan3A_17 = arith.constant 24 : i32
    %scan3A_18 = arith.addi %scan3A_16, %scan3A_17 : i32
    %scan3A_19 = arith.constant 1 : i32
    scf.for %scan3A_71 = %scan3A_16 to %scan3A_18 step %scan3A_19  : i32 {
      %mul3A_72 = arith.constant 2 : i32
      %mul3A_73 = arith.muli %mul3A_72, %scan3A_71 : i32
      %add3A_74 = arith.constant 1 : i32
      %add3A_75 = arith.addi %mul3A_73, %add3A_74 : i32
      %mul3A_76 = arith.constant 10000 : i32
      %mul3A_77 = arith.muli %add3A, %mul3A_76 : i32
      %mul3A_78 = arith.constant 200 : i32
      %mul3A_79 = arith.muli %add3A_75, %mul3A_78 : i32
      %add3A_80 = arith.addi %mul3A_77, %mul3A_79 : i32
      %multiple_of3A_81 = tpu.assume_multiple %add3A_80, 8 : i32
      "tpu.region"() ({
        %run_scoped3A = tpu.sem_alloc : memref<!tpu.dma_semaphore, #tpu.memory_space<semaphore_mem>>
        %dma_start3A_158 = tpu.memref_slice %arg2[%multiple_of3A_81] : memref<320000xi32, #tpu.memory_space<hbm>> -> memref<200xi32, #tpu.memory_space<hbm>>
        %dma_start3A_159 = tpu.memref_slice %arg2[%multiple_of3A_81] : memref<320000xi32, #tpu.memory_space<hbm>> -> memref<200xi32, #tpu.memory_space<hbm>>
        tpu.enqueue_dma source(%dma_start3A_159 : memref<200xi32, #tpu.memory_space<hbm>>) target(%arg17 : memref<200xi32, #tpu.memory_space<vmem>>) target_semaphore(%run_scoped3A : memref<!tpu.dma_semaphore, #tpu.memory_space<semaphore_mem>>)
        %dma_wait3A_160 = tpu.memref_slice %arg2[%multiple_of3A_81] : memref<320000xi32, #tpu.memory_space<hbm>> -> memref<200xi32, #tpu.memory_space<hbm>>
        %dma_wait3A_161 = tpu.memref_slice %arg2[%multiple_of3A_81] : memref<320000xi32, #tpu.memory_space<hbm>> -> memref<200xi32, #tpu.memory_space<hbm>>
        tpu.wait_dma2 semaphore(%run_scoped3A : memref<!tpu.dma_semaphore, #tpu.memory_space<semaphore_mem>>) src(%dma_wait3A_161 : memref<200xi32, #tpu.memory_space<hbm>>) dst(%arg17 : memref<200xi32, #tpu.memory_space<vmem>>)
        tpu.yield
      }) : () -> ()
      "tpu.region"() ({
        %run_scoped3A = tpu.sem_alloc : memref<!tpu.dma_semaphore, #tpu.memory_space<semaphore_mem>>
        %dma_start3A_158 = tpu.memref_slice %arg3[%multiple_of3A_81] : memref<320000xi32, #tpu.memory_space<hbm>> -> memref<200xi32, #tpu.memory_space<hbm>>
        %dma_start3A_159 = tpu.memref_slice %arg3[%multiple_of3A_81] : memref<320000xi32, #tpu.memory_space<hbm>> -> memref<200xi32, #tpu.memory_space<hbm>>
        tpu.enqueue_dma source(%dma_start3A_159 : memref<200xi32, #tpu.memory_space<hbm>>) target(%arg18 : memref<200xi32, #tpu.memory_space<vmem>>) target_semaphore(%run_scoped3A : memref<!tpu.dma_semaphore, #tpu.memory_space<semaphore_mem>>)
        %dma_wait3A_160 = tpu.memref_slice %arg3[%multiple_of3A_81] : memref<320000xi32, #tpu.memory_space<hbm>> -> memref<200xi32, #tpu.memory_space<hbm>>
        %dma_wait3A_161 = tpu.memref_slice %arg3[%multiple_of3A_81] : memref<320000xi32, #tpu.memory_space<hbm>> -> memref<200xi32, #tpu.memory_space<hbm>>
        tpu.wait_dma2 semaphore(%run_scoped3A : memref<!tpu.dma_semaphore, #tpu.memory_space<semaphore_mem>>) src(%dma_wait3A_161 : memref<200xi32, #tpu.memory_space<hbm>>) dst(%arg18 : memref<200xi32, #tpu.memory_space<vmem>>)
        tpu.yield
      }) : () -> ()
      %dma_start3A_82 = arith.constant 0 : i32
      %dma_start3A_83 = arith.constant 0 : i32
      %dma_start3A_84 = tpu.memref_slice %arg4[%dma_start3A_82, %dma_start3A_83] : memref<10000x128xf32, #tpu.memory_space<hbm>> -> memref<10000x128xf32, #tpu.memory_space<hbm>>
      tpu.enqueue_indirect_dma source(%dma_start3A_84 : memref<10000x128xf32, #tpu.memory_space<hbm>>) target(%arg19 : memref<200x128xf32, #tpu.memory_space<vmem>>) offsets(%arg17 : memref<200xi32, #tpu.memory_space<vmem>>) semaphore(%arg27 : memref<!tpu.dma_semaphore, #tpu.memory_space<semaphore_mem>>)
      %dma_start3A_85 = arith.constant 0 : i32
      %dma_start3A_86 = arith.constant 0 : i32
      %dma_start3A_87 = tpu.memref_slice %arg5[%dma_start3A_85, %dma_start3A_86] : memref<10000x128xf32, #tpu.memory_space<hbm>> -> memref<10000x128xf32, #tpu.memory_space<hbm>>
      tpu.enqueue_indirect_dma source(%dma_start3A_87 : memref<10000x128xf32, #tpu.memory_space<hbm>>) target(%arg20 : memref<200x128xf32, #tpu.memory_space<vmem>>) offsets(%arg18 : memref<200xi32, #tpu.memory_space<vmem>>) semaphore(%arg28 : memref<!tpu.dma_semaphore, #tpu.memory_space<semaphore_mem>>)
      %dma_start3A_88 = arith.constant 0 : i32
      %dma_start3A_89 = arith.constant 0 : i32
      %dma_start3A_90 = tpu.memref_slice %arg6[%dma_start3A_88, %dma_start3A_89] : memref<10000x16xf32, #tpu.memory_space<hbm>> -> memref<10000x16xf32, #tpu.memory_space<hbm>>
      tpu.enqueue_indirect_dma source(%dma_start3A_90 : memref<10000x16xf32, #tpu.memory_space<hbm>>) target(%arg21 : memref<200x16xf32, #tpu.memory_space<vmem>>) offsets(%arg17 : memref<200xi32, #tpu.memory_space<vmem>>) semaphore(%arg29 : memref<!tpu.dma_semaphore, #tpu.memory_space<semaphore_mem>>)
      %dma_start3A_91 = arith.constant 0 : i32
      %dma_start3A_92 = arith.constant 0 : i32
      %dma_start3A_93 = tpu.memref_slice %arg6[%dma_start3A_91, %dma_start3A_92] : memref<10000x16xf32, #tpu.memory_space<hbm>> -> memref<10000x16xf32, #tpu.memory_space<hbm>>
      tpu.enqueue_indirect_dma source(%dma_start3A_93 : memref<10000x16xf32, #tpu.memory_space<hbm>>) target(%arg22 : memref<200x16xf32, #tpu.memory_space<vmem>>) offsets(%arg18 : memref<200xi32, #tpu.memory_space<vmem>>) semaphore(%arg30 : memref<!tpu.dma_semaphore, #tpu.memory_space<semaphore_mem>>)
      %mul3A_94 = arith.constant 2 : i32
      %mul3A_95 = arith.muli %mul3A_94, %scan3A_71 : i32
      %mul3A_96 = arith.constant 10000 : i32
      %mul3A_97 = arith.muli %add3A, %mul3A_96 : i32
      %mul3A_98 = arith.constant 200 : i32
      %mul3A_99 = arith.muli %mul3A_95, %mul3A_98 : i32
      %add3A_100 = arith.addi %mul3A_97, %mul3A_99 : i32
      %multiple_of3A_101 = tpu.assume_multiple %add3A_100, 8 : i32
      %dma_wait3A_102 = arith.constant 0 : i32
      %dma_wait3A_103 = arith.constant 0 : i32
      %dma_wait3A_104 = tpu.memref_slice %arg4[%dma_wait3A_102, %dma_wait3A_103] : memref<10000x128xf32, #tpu.memory_space<hbm>> -> memref<10000x128xf32, #tpu.memory_space<hbm>>
      tpu.wait_indirect_dma semaphore(%arg23 : memref<!tpu.dma_semaphore, #tpu.memory_space<semaphore_mem>>) src(%dma_wait3A_104 : memref<10000x128xf32, #tpu.memory_space<hbm>>) dst(%arg13 : memref<200x128xf32, #tpu.memory_space<vmem>>)
      %dma_wait3A_105 = arith.constant 0 : i32
      %dma_wait3A_106 = arith.constant 0 : i32
      %dma_wait3A_107 = tpu.memref_slice %arg5[%dma_wait3A_105, %dma_wait3A_106] : memref<10000x128xf32, #tpu.memory_space<hbm>> -> memref<10000x128xf32, #tpu.memory_space<hbm>>
      tpu.wait_indirect_dma semaphore(%arg24 : memref<!tpu.dma_semaphore, #tpu.memory_space<semaphore_mem>>) src(%dma_wait3A_107 : memref<10000x128xf32, #tpu.memory_space<hbm>>) dst(%arg14 : memref<200x128xf32, #tpu.memory_space<vmem>>)
      %dma_wait3A_108 = arith.constant 0 : i32
      %dma_wait3A_109 = arith.constant 0 : i32
      %dma_wait3A_110 = tpu.memref_slice %arg6[%dma_wait3A_108, %dma_wait3A_109] : memref<10000x16xf32, #tpu.memory_space<hbm>> -> memref<10000x16xf32, #tpu.memory_space<hbm>>
      tpu.wait_indirect_dma semaphore(%arg25 : memref<!tpu.dma_semaphore, #tpu.memory_space<semaphore_mem>>) src(%dma_wait3A_110 : memref<10000x16xf32, #tpu.memory_space<hbm>>) dst(%arg15 : memref<200x16xf32, #tpu.memory_space<vmem>>)
      %dma_wait3A_111 = arith.constant 0 : i32
      %dma_wait3A_112 = arith.constant 0 : i32
      %dma_wait3A_113 = tpu.memref_slice %arg6[%dma_wait3A_111, %dma_wait3A_112] : memref<10000x16xf32, #tpu.memory_space<hbm>> -> memref<10000x16xf32, #tpu.memory_space<hbm>>
      tpu.wait_indirect_dma semaphore(%arg26 : memref<!tpu.dma_semaphore, #tpu.memory_space<semaphore_mem>>) src(%dma_wait3A_113 : memref<10000x16xf32, #tpu.memory_space<hbm>>) dst(%arg16 : memref<200x16xf32, #tpu.memory_space<vmem>>)
      "tpu.region"() ({
        %run_scoped3A = tpu.sem_alloc : memref<!tpu.dma_semaphore, #tpu.memory_space<semaphore_mem>>
        %dma_start3A_158 = arith.constant 0 : i32
        %dma_start3A_159 = tpu.memref_slice %arg7[%multiple_of3A_101, %dma_start3A_158] : memref<320000x128xf32, #tpu.memory_space<hbm>> -> memref<200x128xf32, #tpu.memory_space<hbm>>
        %dma_start3A_160 = arith.constant 0 : i32
        %dma_start3A_161 = tpu.memref_slice %arg7[%multiple_of3A_101, %dma_start3A_160] : memref<320000x128xf32, #tpu.memory_space<hbm>> -> memref<200x128xf32, #tpu.memory_space<hbm>>
        tpu.enqueue_dma source(%arg13 : memref<200x128xf32, #tpu.memory_space<vmem>>) target(%dma_start3A_161 : memref<200x128xf32, #tpu.memory_space<hbm>>) target_semaphore(%run_scoped3A : memref<!tpu.dma_semaphore, #tpu.memory_space<semaphore_mem>>)
        %dma_wait3A_162 = arith.constant 0 : i32
        %dma_wait3A_163 = tpu.memref_slice %arg7[%multiple_of3A_101, %dma_wait3A_162] : memref<320000x128xf32, #tpu.memory_space<hbm>> -> memref<200x128xf32, #tpu.memory_space<hbm>>
        %dma_wait3A_164 = arith.constant 0 : i32
        %dma_wait3A_165 = tpu.memref_slice %arg7[%multiple_of3A_101, %dma_wait3A_164] : memref<320000x128xf32, #tpu.memory_space<hbm>> -> memref<200x128xf32, #tpu.memory_space<hbm>>
        tpu.wait_dma2 semaphore(%run_scoped3A : memref<!tpu.dma_semaphore, #tpu.memory_space<semaphore_mem>>) src(%arg13 : memref<200x128xf32, #tpu.memory_space<vmem>>) dst(%dma_wait3A_165 : memref<200x128xf32, #tpu.memory_space<hbm>>)
        tpu.yield
      }) : () -> ()
      "tpu.region"() ({
        %run_scoped3A = tpu.sem_alloc : memref<!tpu.dma_semaphore, #tpu.memory_space<semaphore_mem>>
        %dma_start3A_158 = arith.constant 0 : i32
        %dma_start3A_159 = tpu.memref_slice %arg8[%multiple_of3A_101, %dma_start3A_158] : memref<320000x128xf32, #tpu.memory_space<hbm>> -> memref<200x128xf32, #tpu.memory_space<hbm>>
        %dma_start3A_160 = arith.constant 0 : i32
        %dma_start3A_161 = tpu.memref_slice %arg8[%multiple_of3A_101, %dma_start3A_160] : memref<320000x128xf32, #tpu.memory_space<hbm>> -> memref<200x128xf32, #tpu.memory_space<hbm>>
        tpu.enqueue_dma source(%arg14 : memref<200x128xf32, #tpu.memory_space<vmem>>) target(%dma_start3A_161 : memref<200x128xf32, #tpu.memory_space<hbm>>) target_semaphore(%run_scoped3A : memref<!tpu.dma_semaphore, #tpu.memory_space<semaphore_mem>>)
        %dma_wait3A_162 = arith.constant 0 : i32
        %dma_wait3A_163 = tpu.memref_slice %arg8[%multiple_of3A_101, %dma_wait3A_162] : memref<320000x128xf32, #tpu.memory_space<hbm>> -> memref<200x128xf32, #tpu.memory_space<hbm>>
        %dma_wait3A_164 = arith.constant 0 : i32
        %dma_wait3A_165 = tpu.memref_slice %arg8[%multiple_of3A_101, %dma_wait3A_164] : memref<320000x128xf32, #tpu.memory_space<hbm>> -> memref<200x128xf32, #tpu.memory_space<hbm>>
        tpu.wait_dma2 semaphore(%run_scoped3A : memref<!tpu.dma_semaphore, #tpu.memory_space<semaphore_mem>>) src(%arg14 : memref<200x128xf32, #tpu.memory_space<vmem>>) dst(%dma_wait3A_165 : memref<200x128xf32, #tpu.memory_space<hbm>>)
        tpu.yield
      }) : () -> ()
      "tpu.region"() ({
        %run_scoped3A = tpu.sem_alloc : memref<!tpu.dma_semaphore, #tpu.memory_space<semaphore_mem>>
        %dma_start3A_158 = arith.constant 0 : i32
        %dma_start3A_159 = tpu.memref_slice %arg9[%multiple_of3A_101, %dma_start3A_158] : memref<320000x16xf32, #tpu.memory_space<hbm>> -> memref<200x16xf32, #tpu.memory_space<hbm>>
        %dma_start3A_160 = arith.constant 0 : i32
        %dma_start3A_161 = tpu.memref_slice %arg9[%multiple_of3A_101, %dma_start3A_160] : memref<320000x16xf32, #tpu.memory_space<hbm>> -> memref<200x16xf32, #tpu.memory_space<hbm>>
        tpu.enqueue_dma source(%arg15 : memref<200x16xf32, #tpu.memory_space<vmem>>) target(%dma_start3A_161 : memref<200x16xf32, #tpu.memory_space<hbm>>) target_semaphore(%run_scoped3A : memref<!tpu.dma_semaphore, #tpu.memory_space<semaphore_mem>>)
        %dma_wait3A_162 = arith.constant 0 : i32
        %dma_wait3A_163 = tpu.memref_slice %arg9[%multiple_of3A_101, %dma_wait3A_162] : memref<320000x16xf32, #tpu.memory_space<hbm>> -> memref<200x16xf32, #tpu.memory_space<hbm>>
        %dma_wait3A_164 = arith.constant 0 : i32
        %dma_wait3A_165 = tpu.memref_slice %arg9[%multiple_of3A_101, %dma_wait3A_164] : memref<320000x16xf32, #tpu.memory_space<hbm>> -> memref<200x16xf32, #tpu.memory_space<hbm>>
        tpu.wait_dma2 semaphore(%run_scoped3A : memref<!tpu.dma_semaphore, #tpu.memory_space<semaphore_mem>>) src(%arg15 : memref<200x16xf32, #tpu.memory_space<vmem>>) dst(%dma_wait3A_165 : memref<200x16xf32, #tpu.memory_space<hbm>>)
        tpu.yield
      }) : () -> ()
      "tpu.region"() ({
        %run_scoped3A = tpu.sem_alloc : memref<!tpu.dma_semaphore, #tpu.memory_space<semaphore_mem>>
        %dma_start3A_158 = arith.constant 0 : i32
        %dma_start3A_159 = tpu.memref_slice %arg10[%multiple_of3A_101, %dma_start3A_158] : memref<320000x16xf32, #tpu.memory_space<hbm>> -> memref<200x16xf32, #tpu.memory_space<hbm>>
        %dma_start3A_160 = arith.constant 0 : i32
        %dma_start3A_161 = tpu.memref_slice %arg10[%multiple_of3A_101, %dma_start3A_160] : memref<320000x16xf32, #tpu.memory_space<hbm>> -> memref<200x16xf32, #tpu.memory_space<hbm>>
        tpu.enqueue_dma source(%arg16 : memref<200x16xf32, #tpu.memory_space<vmem>>) target(%dma_start3A_161 : memref<200x16xf32, #tpu.memory_space<hbm>>) target_semaphore(%run_scoped3A : memref<!tpu.dma_semaphore, #tpu.memory_space<semaphore_mem>>)
        %dma_wait3A_162 = arith.constant 0 : i32
        %dma_wait3A_163 = tpu.memref_slice %arg10[%multiple_of3A_101, %dma_wait3A_162] : memref<320000x16xf32, #tpu.memory_space<hbm>> -> memref<200x16xf32, #tpu.memory_space<hbm>>
        %dma_wait3A_164 = arith.constant 0 : i32
        %dma_wait3A_165 = tpu.memref_slice %arg10[%multiple_of3A_101, %dma_wait3A_164] : memref<320000x16xf32, #tpu.memory_space<hbm>> -> memref<200x16xf32, #tpu.memory_space<hbm>>
        tpu.wait_dma2 semaphore(%run_scoped3A : memref<!tpu.dma_semaphore, #tpu.memory_space<semaphore_mem>>) src(%arg16 : memref<200x16xf32, #tpu.memory_space<vmem>>) dst(%dma_wait3A_165 : memref<200x16xf32, #tpu.memory_space<hbm>>)
        tpu.yield
      }) : () -> ()
      %mul3A_114 = arith.constant 2 : i32
      %mul3A_115 = arith.muli %mul3A_114, %scan3A_71 : i32
      %add3A_116 = arith.constant 2 : i32
      %add3A_117 = arith.addi %mul3A_115, %add3A_116 : i32
      %mul3A_118 = arith.constant 10000 : i32
      %mul3A_119 = arith.muli %add3A, %mul3A_118 : i32
      %mul3A_120 = arith.constant 200 : i32
      %mul3A_121 = arith.muli %add3A_117, %mul3A_120 : i32
      %add3A_122 = arith.addi %mul3A_119, %mul3A_121 : i32
      %multiple_of3A_123 = tpu.assume_multiple %add3A_122, 8 : i32
      "tpu.region"() ({
        %run_scoped3A = tpu.sem_alloc : memref<!tpu.dma_semaphore, #tpu.memory_space<semaphore_mem>>
        %dma_start3A_158 = tpu.memref_slice %arg2[%multiple_of3A_123] : memref<320000xi32, #tpu.memory_space<hbm>> -> memref<200xi32, #tpu.memory_space<hbm>>
        %dma_start3A_159 = tpu.memref_slice %arg2[%multiple_of3A_123] : memref<320000xi32, #tpu.memory_space<hbm>> -> memref<200xi32, #tpu.memory_space<hbm>>
        tpu.enqueue_dma source(%dma_start3A_159 : memref<200xi32, #tpu.memory_space<hbm>>) target(%arg11 : memref<200xi32, #tpu.memory_space<vmem>>) target_semaphore(%run_scoped3A : memref<!tpu.dma_semaphore, #tpu.memory_space<semaphore_mem>>)
        %dma_wait3A_160 = tpu.memref_slice %arg2[%multiple_of3A_123] : memref<320000xi32, #tpu.memory_space<hbm>> -> memref<200xi32, #tpu.memory_space<hbm>>
        %dma_wait3A_161 = tpu.memref_slice %arg2[%multiple_of3A_123] : memref<320000xi32, #tpu.memory_space<hbm>> -> memref<200xi32, #tpu.memory_space<hbm>>
        tpu.wait_dma2 semaphore(%run_scoped3A : memref<!tpu.dma_semaphore, #tpu.memory_space<semaphore_mem>>) src(%dma_wait3A_161 : memref<200xi32, #tpu.memory_space<hbm>>) dst(%arg11 : memref<200xi32, #tpu.memory_space<vmem>>)
        tpu.yield
      }) : () -> ()
      "tpu.region"() ({
        %run_scoped3A = tpu.sem_alloc : memref<!tpu.dma_semaphore, #tpu.memory_space<semaphore_mem>>
        %dma_start3A_158 = tpu.memref_slice %arg3[%multiple_of3A_123] : memref<320000xi32, #tpu.memory_space<hbm>> -> memref<200xi32, #tpu.memory_space<hbm>>
        %dma_start3A_159 = tpu.memref_slice %arg3[%multiple_of3A_123] : memref<320000xi32, #tpu.memory_space<hbm>> -> memref<200xi32, #tpu.memory_space<hbm>>
        tpu.enqueue_dma source(%dma_start3A_159 : memref<200xi32, #tpu.memory_space<hbm>>) target(%arg12 : memref<200xi32, #tpu.memory_space<vmem>>) target_semaphore(%run_scoped3A : memref<!tpu.dma_semaphore, #tpu.memory_space<semaphore_mem>>)
        %dma_wait3A_160 = tpu.memref_slice %arg3[%multiple_of3A_123] : memref<320000xi32, #tpu.memory_space<hbm>> -> memref<200xi32, #tpu.memory_space<hbm>>
        %dma_wait3A_161 = tpu.memref_slice %arg3[%multiple_of3A_123] : memref<320000xi32, #tpu.memory_space<hbm>> -> memref<200xi32, #tpu.memory_space<hbm>>
        tpu.wait_dma2 semaphore(%run_scoped3A : memref<!tpu.dma_semaphore, #tpu.memory_space<semaphore_mem>>) src(%dma_wait3A_161 : memref<200xi32, #tpu.memory_space<hbm>>) dst(%arg12 : memref<200xi32, #tpu.memory_space<vmem>>)
        tpu.yield
      }) : () -> ()
      %dma_start3A_124 = arith.constant 0 : i32
      %dma_start3A_125 = arith.constant 0 : i32
      %dma_start3A_126 = tpu.memref_slice %arg4[%dma_start3A_124, %dma_start3A_125] : memref<10000x128xf32, #tpu.memory_space<hbm>> -> memref<10000x128xf32, #tpu.memory_space<hbm>>
      tpu.enqueue_indirect_dma source(%dma_start3A_126 : memref<10000x128xf32, #tpu.memory_space<hbm>>) target(%arg13 : memref<200x128xf32, #tpu.memory_space<vmem>>) offsets(%arg11 : memref<200xi32, #tpu.memory_space<vmem>>) semaphore(%arg23 : memref<!tpu.dma_semaphore, #tpu.memory_space<semaphore_mem>>)
      %dma_start3A_127 = arith.constant 0 : i32
      %dma_start3A_128 = arith.constant 0 : i32
      %dma_start3A_129 = tpu.memref_slice %arg5[%dma_start3A_127, %dma_start3A_128] : memref<10000x128xf32, #tpu.memory_space<hbm>> -> memref<10000x128xf32, #tpu.memory_space<hbm>>
      tpu.enqueue_indirect_dma source(%dma_start3A_129 : memref<10000x128xf32, #tpu.memory_space<hbm>>) target(%arg14 : memref<200x128xf32, #tpu.memory_space<vmem>>) offsets(%arg12 : memref<200xi32, #tpu.memory_space<vmem>>) semaphore(%arg24 : memref<!tpu.dma_semaphore, #tpu.memory_space<semaphore_mem>>)
      %dma_start3A_130 = arith.constant 0 : i32
      %dma_start3A_131 = arith.constant 0 : i32
      %dma_start3A_132 = tpu.memref_slice %arg6[%dma_start3A_130, %dma_start3A_131] : memref<10000x16xf32, #tpu.memory_space<hbm>> -> memref<10000x16xf32, #tpu.memory_space<hbm>>
      tpu.enqueue_indirect_dma source(%dma_start3A_132 : memref<10000x16xf32, #tpu.memory_space<hbm>>) target(%arg15 : memref<200x16xf32, #tpu.memory_space<vmem>>) offsets(%arg11 : memref<200xi32, #tpu.memory_space<vmem>>) semaphore(%arg25 : memref<!tpu.dma_semaphore, #tpu.memory_space<semaphore_mem>>)
      %dma_start3A_133 = arith.constant 0 : i32
      %dma_start3A_134 = arith.constant 0 : i32
      %dma_start3A_135 = tpu.memref_slice %arg6[%dma_start3A_133, %dma_start3A_134] : memref<10000x16xf32, #tpu.memory_space<hbm>> -> memref<10000x16xf32, #tpu.memory_space<hbm>>
      tpu.enqueue_indirect_dma source(%dma_start3A_135 : memref<10000x16xf32, #tpu.memory_space<hbm>>) target(%arg16 : memref<200x16xf32, #tpu.memory_space<vmem>>) offsets(%arg12 : memref<200xi32, #tpu.memory_space<vmem>>) semaphore(%arg26 : memref<!tpu.dma_semaphore, #tpu.memory_space<semaphore_mem>>)
      %mul3A_136 = arith.constant 2 : i32
      %mul3A_137 = arith.muli %mul3A_136, %scan3A_71 : i32
      %add3A_138 = arith.constant 1 : i32
      %add3A_139 = arith.addi %mul3A_137, %add3A_138 : i32
      %mul3A_140 = arith.constant 10000 : i32
      %mul3A_141 = arith.muli %add3A, %mul3A_140 : i32
      %mul3A_142 = arith.constant 200 : i32
      %mul3A_143 = arith.muli %add3A_139, %mul3A_142 : i32
      %add3A_144 = arith.addi %mul3A_141, %mul3A_143 : i32
      %multiple_of3A_145 = tpu.assume_multiple %add3A_144, 8 : i32
      %dma_wait3A_146 = arith.constant 0 : i32
      %dma_wait3A_147 = arith.constant 0 : i32
      %dma_wait3A_148 = tpu.memref_slice %arg4[%dma_wait3A_146, %dma_wait3A_147] : memref<10000x128xf32, #tpu.memory_space<hbm>> -> memref<10000x128xf32, #tpu.memory_space<hbm>>
      tpu.wait_indirect_dma semaphore(%arg27 : memref<!tpu.dma_semaphore, #tpu.memory_space<semaphore_mem>>) src(%dma_wait3A_148 : memref<10000x128xf32, #tpu.memory_space<hbm>>) dst(%arg19 : memref<200x128xf32, #tpu.memory_space<vmem>>)
      %dma_wait3A_149 = arith.constant 0 : i32
      %dma_wait3A_150 = arith.constant 0 : i32
      %dma_wait3A_151 = tpu.memref_slice %arg5[%dma_wait3A_149, %dma_wait3A_150] : memref<10000x128xf32, #tpu.memory_space<hbm>> -> memref<10000x128xf32, #tpu.memory_space<hbm>>
      tpu.wait_indirect_dma semaphore(%arg28 : memref<!tpu.dma_semaphore, #tpu.memory_space<semaphore_mem>>) src(%dma_wait3A_151 : memref<10000x128xf32, #tpu.memory_space<hbm>>) dst(%arg20 : memref<200x128xf32, #tpu.memory_space<vmem>>)
      %dma_wait3A_152 = arith.constant 0 : i32
      %dma_wait3A_153 = arith.constant 0 : i32
      %dma_wait3A_154 = tpu.memref_slice %arg6[%dma_wait3A_152, %dma_wait3A_153] : memref<10000x16xf32, #tpu.memory_space<hbm>> -> memref<10000x16xf32, #tpu.memory_space<hbm>>
      tpu.wait_indirect_dma semaphore(%arg29 : memref<!tpu.dma_semaphore, #tpu.memory_space<semaphore_mem>>) src(%dma_wait3A_154 : memref<10000x16xf32, #tpu.memory_space<hbm>>) dst(%arg21 : memref<200x16xf32, #tpu.memory_space<vmem>>)
      %dma_wait3A_155 = arith.constant 0 : i32
      %dma_wait3A_156 = arith.constant 0 : i32
      %dma_wait3A_157 = tpu.memref_slice %arg6[%dma_wait3A_155, %dma_wait3A_156] : memref<10000x16xf32, #tpu.memory_space<hbm>> -> memref<10000x16xf32, #tpu.memory_space<hbm>>
      tpu.wait_indirect_dma semaphore(%arg30 : memref<!tpu.dma_semaphore, #tpu.memory_space<semaphore_mem>>) src(%dma_wait3A_157 : memref<10000x16xf32, #tpu.memory_space<hbm>>) dst(%arg22 : memref<200x16xf32, #tpu.memory_space<vmem>>)
      "tpu.region"() ({
        %run_scoped3A = tpu.sem_alloc : memref<!tpu.dma_semaphore, #tpu.memory_space<semaphore_mem>>
        %dma_start3A_158 = arith.constant 0 : i32
        %dma_start3A_159 = tpu.memref_slice %arg7[%multiple_of3A_145, %dma_start3A_158] : memref<320000x128xf32, #tpu.memory_space<hbm>> -> memref<200x128xf32, #tpu.memory_space<hbm>>
        %dma_start3A_160 = arith.constant 0 : i32
        %dma_start3A_161 = tpu.memref_slice %arg7[%multiple_of3A_145, %dma_start3A_160] : memref<320000x128xf32, #tpu.memory_space<hbm>> -> memref<200x128xf32, #tpu.memory_space<hbm>>
        tpu.enqueue_dma source(%arg19 : memref<200x128xf32, #tpu.memory_space<vmem>>) target(%dma_start3A_161 : memref<200x128xf32, #tpu.memory_space<hbm>>) target_semaphore(%run_scoped3A : memref<!tpu.dma_semaphore, #tpu.memory_space<semaphore_mem>>)
        %dma_wait3A_162 = arith.constant 0 : i32
        %dma_wait3A_163 = tpu.memref_slice %arg7[%multiple_of3A_145, %dma_wait3A_162] : memref<320000x128xf32, #tpu.memory_space<hbm>> -> memref<200x128xf32, #tpu.memory_space<hbm>>
        %dma_wait3A_164 = arith.constant 0 : i32
        %dma_wait3A_165 = tpu.memref_slice %arg7[%multiple_of3A_145, %dma_wait3A_164] : memref<320000x128xf32, #tpu.memory_space<hbm>> -> memref<200x128xf32, #tpu.memory_space<hbm>>
        tpu.wait_dma2 semaphore(%run_scoped3A : memref<!tpu.dma_semaphore, #tpu.memory_space<semaphore_mem>>) src(%arg19 : memref<200x128xf32, #tpu.memory_space<vmem>>) dst(%dma_wait3A_165 : memref<200x128xf32, #tpu.memory_space<hbm>>)
        tpu.yield
      }) : () -> ()
      "tpu.region"() ({
        %run_scoped3A = tpu.sem_alloc : memref<!tpu.dma_semaphore, #tpu.memory_space<semaphore_mem>>
        %dma_start3A_158 = arith.constant 0 : i32
        %dma_start3A_159 = tpu.memref_slice %arg8[%multiple_of3A_145, %dma_start3A_158] : memref<320000x128xf32, #tpu.memory_space<hbm>> -> memref<200x128xf32, #tpu.memory_space<hbm>>
        %dma_start3A_160 = arith.constant 0 : i32
        %dma_start3A_161 = tpu.memref_slice %arg8[%multiple_of3A_145, %dma_start3A_160] : memref<320000x128xf32, #tpu.memory_space<hbm>> -> memref<200x128xf32, #tpu.memory_space<hbm>>
        tpu.enqueue_dma source(%arg20 : memref<200x128xf32, #tpu.memory_space<vmem>>) target(%dma_start3A_161 : memref<200x128xf32, #tpu.memory_space<hbm>>) target_semaphore(%run_scoped3A : memref<!tpu.dma_semaphore, #tpu.memory_space<semaphore_mem>>)
        %dma_wait3A_162 = arith.constant 0 : i32
        %dma_wait3A_163 = tpu.memref_slice %arg8[%multiple_of3A_145, %dma_wait3A_162] : memref<320000x128xf32, #tpu.memory_space<hbm>> -> memref<200x128xf32, #tpu.memory_space<hbm>>
        %dma_wait3A_164 = arith.constant 0 : i32
        %dma_wait3A_165 = tpu.memref_slice %arg8[%multiple_of3A_145, %dma_wait3A_164] : memref<320000x128xf32, #tpu.memory_space<hbm>> -> memref<200x128xf32, #tpu.memory_space<hbm>>
        tpu.wait_dma2 semaphore(%run_scoped3A : memref<!tpu.dma_semaphore, #tpu.memory_space<semaphore_mem>>) src(%arg20 : memref<200x128xf32, #tpu.memory_space<vmem>>) dst(%dma_wait3A_165 : memref<200x128xf32, #tpu.memory_space<hbm>>)
        tpu.yield
      }) : () -> ()
      "tpu.region"() ({
        %run_scoped3A = tpu.sem_alloc : memref<!tpu.dma_semaphore, #tpu.memory_space<semaphore_mem>>
        %dma_start3A_158 = arith.constant 0 : i32
        %dma_start3A_159 = tpu.memref_slice %arg9[%multiple_of3A_145, %dma_start3A_158] : memref<320000x16xf32, #tpu.memory_space<hbm>> -> memref<200x16xf32, #tpu.memory_space<hbm>>
        %dma_start3A_160 = arith.constant 0 : i32
        %dma_start3A_161 = tpu.memref_slice %arg9[%multiple_of3A_145, %dma_start3A_160] : memref<320000x16xf32, #tpu.memory_space<hbm>> -> memref<200x16xf32, #tpu.memory_space<hbm>>
        tpu.enqueue_dma source(%arg21 : memref<200x16xf32, #tpu.memory_space<vmem>>) target(%dma_start3A_161 : memref<200x16xf32, #tpu.memory_space<hbm>>) target_semaphore(%run_scoped3A : memref<!tpu.dma_semaphore, #tpu.memory_space<semaphore_mem>>)
        %dma_wait3A_162 = arith.constant 0 : i32
        %dma_wait3A_163 = tpu.memref_slice %arg9[%multiple_of3A_145, %dma_wait3A_162] : memref<320000x16xf32, #tpu.memory_space<hbm>> -> memref<200x16xf32, #tpu.memory_space<hbm>>
        %dma_wait3A_164 = arith.constant 0 : i32
        %dma_wait3A_165 = tpu.memref_slice %arg9[%multiple_of3A_145, %dma_wait3A_164] : memref<320000x16xf32, #tpu.memory_space<hbm>> -> memref<200x16xf32, #tpu.memory_space<hbm>>
        tpu.wait_dma2 semaphore(%run_scoped3A : memref<!tpu.dma_semaphore, #tpu.memory_space<semaphore_mem>>) src(%arg21 : memref<200x16xf32, #tpu.memory_space<vmem>>) dst(%dma_wait3A_165 : memref<200x16xf32, #tpu.memory_space<hbm>>)
        tpu.yield
      }) : () -> ()
      "tpu.region"() ({
        %run_scoped3A = tpu.sem_alloc : memref<!tpu.dma_semaphore, #tpu.memory_space<semaphore_mem>>
        %dma_start3A_158 = arith.constant 0 : i32
        %dma_start3A_159 = tpu.memref_slice %arg10[%multiple_of3A_145, %dma_start3A_158] : memref<320000x16xf32, #tpu.memory_space<hbm>> -> memref<200x16xf32, #tpu.memory_space<hbm>>
        %dma_start3A_160 = arith.constant 0 : i32
        %dma_start3A_161 = tpu.memref_slice %arg10[%multiple_of3A_145, %dma_start3A_160] : memref<320000x16xf32, #tpu.memory_space<hbm>> -> memref<200x16xf32, #tpu.memory_space<hbm>>
        tpu.enqueue_dma source(%arg22 : memref<200x16xf32, #tpu.memory_space<vmem>>) target(%dma_start3A_161 : memref<200x16xf32, #tpu.memory_space<hbm>>) target_semaphore(%run_scoped3A : memref<!tpu.dma_semaphore, #tpu.memory_space<semaphore_mem>>)
        %dma_wait3A_162 = arith.constant 0 : i32
        %dma_wait3A_163 = tpu.memref_slice %arg10[%multiple_of3A_145, %dma_wait3A_162] : memref<320000x16xf32, #tpu.memory_space<hbm>> -> memref<200x16xf32, #tpu.memory_space<hbm>>
        %dma_wait3A_164 = arith.constant 0 : i32
        %dma_wait3A_165 = tpu.memref_slice %arg10[%multiple_of3A_145, %dma_wait3A_164] : memref<320000x16xf32, #tpu.memory_space<hbm>> -> memref<200x16xf32, #tpu.memory_space<hbm>>
        tpu.wait_dma2 semaphore(%run_scoped3A : memref<!tpu.dma_semaphore, #tpu.memory_space<semaphore_mem>>) src(%arg22 : memref<200x16xf32, #tpu.memory_space<vmem>>) dst(%dma_wait3A_165 : memref<200x16xf32, #tpu.memory_space<hbm>>)
        tpu.yield
      }) : () -> ()
    }
    %scan3A_20 = arith.constant 24 : i32
    %mul3A_21 = arith.constant 10000 : i32
    %mul3A_22 = arith.muli %add3A, %mul3A_21 : i32
    %add3A_23 = arith.constant 9800 : i32
    %add3A_24 = arith.addi %mul3A_22, %add3A_23 : i32
    %multiple_of3A_25 = tpu.assume_multiple %add3A_24, 8 : i32
    "tpu.region"() ({
      %run_scoped3A = tpu.sem_alloc : memref<!tpu.dma_semaphore, #tpu.memory_space<semaphore_mem>>
      %dma_start3A_71 = tpu.memref_slice %arg2[%multiple_of3A_25] : memref<320000xi32, #tpu.memory_space<hbm>> -> memref<200xi32, #tpu.memory_space<hbm>>
      %dma_start3A_72 = tpu.memref_slice %arg2[%multiple_of3A_25] : memref<320000xi32, #tpu.memory_space<hbm>> -> memref<200xi32, #tpu.memory_space<hbm>>
      tpu.enqueue_dma source(%dma_start3A_72 : memref<200xi32, #tpu.memory_space<hbm>>) target(%arg17 : memref<200xi32, #tpu.memory_space<vmem>>) target_semaphore(%run_scoped3A : memref<!tpu.dma_semaphore, #tpu.memory_space<semaphore_mem>>)
      %dma_wait3A_73 = tpu.memref_slice %arg2[%multiple_of3A_25] : memref<320000xi32, #tpu.memory_space<hbm>> -> memref<200xi32, #tpu.memory_space<hbm>>
      %dma_wait3A_74 = tpu.memref_slice %arg2[%multiple_of3A_25] : memref<320000xi32, #tpu.memory_space<hbm>> -> memref<200xi32, #tpu.memory_space<hbm>>
      tpu.wait_dma2 semaphore(%run_scoped3A : memref<!tpu.dma_semaphore, #tpu.memory_space<semaphore_mem>>) src(%dma_wait3A_74 : memref<200xi32, #tpu.memory_space<hbm>>) dst(%arg17 : memref<200xi32, #tpu.memory_space<vmem>>)
      tpu.yield
    }) : () -> ()
    "tpu.region"() ({
      %run_scoped3A = tpu.sem_alloc : memref<!tpu.dma_semaphore, #tpu.memory_space<semaphore_mem>>
      %dma_start3A_71 = tpu.memref_slice %arg3[%multiple_of3A_25] : memref<320000xi32, #tpu.memory_space<hbm>> -> memref<200xi32, #tpu.memory_space<hbm>>
      %dma_start3A_72 = tpu.memref_slice %arg3[%multiple_of3A_25] : memref<320000xi32, #tpu.memory_space<hbm>> -> memref<200xi32, #tpu.memory_space<hbm>>
      tpu.enqueue_dma source(%dma_start3A_72 : memref<200xi32, #tpu.memory_space<hbm>>) target(%arg18 : memref<200xi32, #tpu.memory_space<vmem>>) target_semaphore(%run_scoped3A : memref<!tpu.dma_semaphore, #tpu.memory_space<semaphore_mem>>)
      %dma_wait3A_73 = tpu.memref_slice %arg3[%multiple_of3A_25] : memref<320000xi32, #tpu.memory_space<hbm>> -> memref<200xi32, #tpu.memory_space<hbm>>
      %dma_wait3A_74 = tpu.memref_slice %arg3[%multiple_of3A_25] : memref<320000xi32, #tpu.memory_space<hbm>> -> memref<200xi32, #tpu.memory_space<hbm>>
      tpu.wait_dma2 semaphore(%run_scoped3A : memref<!tpu.dma_semaphore, #tpu.memory_space<semaphore_mem>>) src(%dma_wait3A_74 : memref<200xi32, #tpu.memory_space<hbm>>) dst(%arg18 : memref<200xi32, #tpu.memory_space<vmem>>)
      tpu.yield
    }) : () -> ()
    %dma_start3A_26 = arith.constant 0 : i32
    %dma_start3A_27 = arith.constant 0 : i32
    %dma_start3A_28 = tpu.memref_slice %arg4[%dma_start3A_26, %dma_start3A_27] : memref<10000x128xf32, #tpu.memory_space<hbm>> -> memref<10000x128xf32, #tpu.memory_space<hbm>>
    tpu.enqueue_indirect_dma source(%dma_start3A_28 : memref<10000x128xf32, #tpu.memory_space<hbm>>) target(%arg19 : memref<200x128xf32, #tpu.memory_space<vmem>>) offsets(%arg17 : memref<200xi32, #tpu.memory_space<vmem>>) semaphore(%arg27 : memref<!tpu.dma_semaphore, #tpu.memory_space<semaphore_mem>>)
    %dma_start3A_29 = arith.constant 0 : i32
    %dma_start3A_30 = arith.constant 0 : i32
    %dma_start3A_31 = tpu.memref_slice %arg5[%dma_start3A_29, %dma_start3A_30] : memref<10000x128xf32, #tpu.memory_space<hbm>> -> memref<10000x128xf32, #tpu.memory_space<hbm>>
    tpu.enqueue_indirect_dma source(%dma_start3A_31 : memref<10000x128xf32, #tpu.memory_space<hbm>>) target(%arg20 : memref<200x128xf32, #tpu.memory_space<vmem>>) offsets(%arg18 : memref<200xi32, #tpu.memory_space<vmem>>) semaphore(%arg28 : memref<!tpu.dma_semaphore, #tpu.memory_space<semaphore_mem>>)
    %dma_start3A_32 = arith.constant 0 : i32
    %dma_start3A_33 = arith.constant 0 : i32
    %dma_start3A_34 = tpu.memref_slice %arg6[%dma_start3A_32, %dma_start3A_33] : memref<10000x16xf32, #tpu.memory_space<hbm>> -> memref<10000x16xf32, #tpu.memory_space<hbm>>
    tpu.enqueue_indirect_dma source(%dma_start3A_34 : memref<10000x16xf32, #tpu.memory_space<hbm>>) target(%arg21 : memref<200x16xf32, #tpu.memory_space<vmem>>) offsets(%arg17 : memref<200xi32, #tpu.memory_space<vmem>>) semaphore(%arg29 : memref<!tpu.dma_semaphore, #tpu.memory_space<semaphore_mem>>)
    %dma_start3A_35 = arith.constant 0 : i32
    %dma_start3A_36 = arith.constant 0 : i32
    %dma_start3A_37 = tpu.memref_slice %arg6[%dma_start3A_35, %dma_start3A_36] : memref<10000x16xf32, #tpu.memory_space<hbm>> -> memref<10000x16xf32, #tpu.memory_space<hbm>>
    tpu.enqueue_indirect_dma source(%dma_start3A_37 : memref<10000x16xf32, #tpu.memory_space<hbm>>) target(%arg22 : memref<200x16xf32, #tpu.memory_space<vmem>>) offsets(%arg18 : memref<200xi32, #tpu.memory_space<vmem>>) semaphore(%arg30 : memref<!tpu.dma_semaphore, #tpu.memory_space<semaphore_mem>>)
    %mul3A_38 = arith.constant 10000 : i32
    %mul3A_39 = arith.muli %add3A, %mul3A_38 : i32
    %add3A_40 = arith.constant 9600 : i32
    %add3A_41 = arith.addi %mul3A_39, %add3A_40 : i32
    %multiple_of3A_42 = tpu.assume_multiple %add3A_41, 8 : i32
    %dma_wait3A = arith.constant 0 : i32
    %dma_wait3A_43 = arith.constant 0 : i32
    %dma_wait3A_44 = tpu.memref_slice %arg4[%dma_wait3A, %dma_wait3A_43] : memref<10000x128xf32, #tpu.memory_space<hbm>> -> memref<10000x128xf32, #tpu.memory_space<hbm>>
    tpu.wait_indirect_dma semaphore(%arg23 : memref<!tpu.dma_semaphore, #tpu.memory_space<semaphore_mem>>) src(%dma_wait3A_44 : memref<10000x128xf32, #tpu.memory_space<hbm>>) dst(%arg13 : memref<200x128xf32, #tpu.memory_space<vmem>>)
    %dma_wait3A_45 = arith.constant 0 : i32
    %dma_wait3A_46 = arith.constant 0 : i32
    %dma_wait3A_47 = tpu.memref_slice %arg5[%dma_wait3A_45, %dma_wait3A_46] : memref<10000x128xf32, #tpu.memory_space<hbm>> -> memref<10000x128xf32, #tpu.memory_space<hbm>>
    tpu.wait_indirect_dma semaphore(%arg24 : memref<!tpu.dma_semaphore, #tpu.memory_space<semaphore_mem>>) src(%dma_wait3A_47 : memref<10000x128xf32, #tpu.memory_space<hbm>>) dst(%arg14 : memref<200x128xf32, #tpu.memory_space<vmem>>)
    %dma_wait3A_48 = arith.constant 0 : i32
    %dma_wait3A_49 = arith.constant 0 : i32
    %dma_wait3A_50 = tpu.memref_slice %arg6[%dma_wait3A_48, %dma_wait3A_49] : memref<10000x16xf32, #tpu.memory_space<hbm>> -> memref<10000x16xf32, #tpu.memory_space<hbm>>
    tpu.wait_indirect_dma semaphore(%arg25 : memref<!tpu.dma_semaphore, #tpu.memory_space<semaphore_mem>>) src(%dma_wait3A_50 : memref<10000x16xf32, #tpu.memory_space<hbm>>) dst(%arg15 : memref<200x16xf32, #tpu.memory_space<vmem>>)
    %dma_wait3A_51 = arith.constant 0 : i32
    %dma_wait3A_52 = arith.constant 0 : i32
    %dma_wait3A_53 = tpu.memref_slice %arg6[%dma_wait3A_51, %dma_wait3A_52] : memref<10000x16xf32, #tpu.memory_space<hbm>> -> memref<10000x16xf32, #tpu.memory_space<hbm>>
    tpu.wait_indirect_dma semaphore(%arg26 : memref<!tpu.dma_semaphore, #tpu.memory_space<semaphore_mem>>) src(%dma_wait3A_53 : memref<10000x16xf32, #tpu.memory_space<hbm>>) dst(%arg16 : memref<200x16xf32, #tpu.memory_space<vmem>>)
    "tpu.region"() ({
      %run_scoped3A = tpu.sem_alloc : memref<!tpu.dma_semaphore, #tpu.memory_space<semaphore_mem>>
      %dma_start3A_71 = arith.constant 0 : i32
      %dma_start3A_72 = tpu.memref_slice %arg7[%multiple_of3A_42, %dma_start3A_71] : memref<320000x128xf32, #tpu.memory_space<hbm>> -> memref<200x128xf32, #tpu.memory_space<hbm>>
      %dma_start3A_73 = arith.constant 0 : i32
      %dma_start3A_74 = tpu.memref_slice %arg7[%multiple_of3A_42, %dma_start3A_73] : memref<320000x128xf32, #tpu.memory_space<hbm>> -> memref<200x128xf32, #tpu.memory_space<hbm>>
      tpu.enqueue_dma source(%arg13 : memref<200x128xf32, #tpu.memory_space<vmem>>) target(%dma_start3A_74 : memref<200x128xf32, #tpu.memory_space<hbm>>) target_semaphore(%run_scoped3A : memref<!tpu.dma_semaphore, #tpu.memory_space<semaphore_mem>>)
      %dma_wait3A_75 = arith.constant 0 : i32
      %dma_wait3A_76 = tpu.memref_slice %arg7[%multiple_of3A_42, %dma_wait3A_75] : memref<320000x128xf32, #tpu.memory_space<hbm>> -> memref<200x128xf32, #tpu.memory_space<hbm>>
      %dma_wait3A_77 = arith.constant 0 : i32
      %dma_wait3A_78 = tpu.memref_slice %arg7[%multiple_of3A_42, %dma_wait3A_77] : memref<320000x128xf32, #tpu.memory_space<hbm>> -> memref<200x128xf32, #tpu.memory_space<hbm>>
      tpu.wait_dma2 semaphore(%run_scoped3A : memref<!tpu.dma_semaphore, #tpu.memory_space<semaphore_mem>>) src(%arg13 : memref<200x128xf32, #tpu.memory_space<vmem>>) dst(%dma_wait3A_78 : memref<200x128xf32, #tpu.memory_space<hbm>>)
      tpu.yield
    }) : () -> ()
    "tpu.region"() ({
      %run_scoped3A = tpu.sem_alloc : memref<!tpu.dma_semaphore, #tpu.memory_space<semaphore_mem>>
      %dma_start3A_71 = arith.constant 0 : i32
      %dma_start3A_72 = tpu.memref_slice %arg8[%multiple_of3A_42, %dma_start3A_71] : memref<320000x128xf32, #tpu.memory_space<hbm>> -> memref<200x128xf32, #tpu.memory_space<hbm>>
      %dma_start3A_73 = arith.constant 0 : i32
      %dma_start3A_74 = tpu.memref_slice %arg8[%multiple_of3A_42, %dma_start3A_73] : memref<320000x128xf32, #tpu.memory_space<hbm>> -> memref<200x128xf32, #tpu.memory_space<hbm>>
      tpu.enqueue_dma source(%arg14 : memref<200x128xf32, #tpu.memory_space<vmem>>) target(%dma_start3A_74 : memref<200x128xf32, #tpu.memory_space<hbm>>) target_semaphore(%run_scoped3A : memref<!tpu.dma_semaphore, #tpu.memory_space<semaphore_mem>>)
      %dma_wait3A_75 = arith.constant 0 : i32
      %dma_wait3A_76 = tpu.memref_slice %arg8[%multiple_of3A_42, %dma_wait3A_75] : memref<320000x128xf32, #tpu.memory_space<hbm>> -> memref<200x128xf32, #tpu.memory_space<hbm>>
      %dma_wait3A_77 = arith.constant 0 : i32
      %dma_wait3A_78 = tpu.memref_slice %arg8[%multiple_of3A_42, %dma_wait3A_77] : memref<320000x128xf32, #tpu.memory_space<hbm>> -> memref<200x128xf32, #tpu.memory_space<hbm>>
      tpu.wait_dma2 semaphore(%run_scoped3A : memref<!tpu.dma_semaphore, #tpu.memory_space<semaphore_mem>>) src(%arg14 : memref<200x128xf32, #tpu.memory_space<vmem>>) dst(%dma_wait3A_78 : memref<200x128xf32, #tpu.memory_space<hbm>>)
      tpu.yield
    }) : () -> ()
    "tpu.region"() ({
      %run_scoped3A = tpu.sem_alloc : memref<!tpu.dma_semaphore, #tpu.memory_space<semaphore_mem>>
      %dma_start3A_71 = arith.constant 0 : i32
      %dma_start3A_72 = tpu.memref_slice %arg9[%multiple_of3A_42, %dma_start3A_71] : memref<320000x16xf32, #tpu.memory_space<hbm>> -> memref<200x16xf32, #tpu.memory_space<hbm>>
      %dma_start3A_73 = arith.constant 0 : i32
      %dma_start3A_74 = tpu.memref_slice %arg9[%multiple_of3A_42, %dma_start3A_73] : memref<320000x16xf32, #tpu.memory_space<hbm>> -> memref<200x16xf32, #tpu.memory_space<hbm>>
      tpu.enqueue_dma source(%arg15 : memref<200x16xf32, #tpu.memory_space<vmem>>) target(%dma_start3A_74 : memref<200x16xf32, #tpu.memory_space<hbm>>) target_semaphore(%run_scoped3A : memref<!tpu.dma_semaphore, #tpu.memory_space<semaphore_mem>>)
      %dma_wait3A_75 = arith.constant 0 : i32
      %dma_wait3A_76 = tpu.memref_slice %arg9[%multiple_of3A_42, %dma_wait3A_75] : memref<320000x16xf32, #tpu.memory_space<hbm>> -> memref<200x16xf32, #tpu.memory_space<hbm>>
      %dma_wait3A_77 = arith.constant 0 : i32
      %dma_wait3A_78 = tpu.memref_slice %arg9[%multiple_of3A_42, %dma_wait3A_77] : memref<320000x16xf32, #tpu.memory_space<hbm>> -> memref<200x16xf32, #tpu.memory_space<hbm>>
      tpu.wait_dma2 semaphore(%run_scoped3A : memref<!tpu.dma_semaphore, #tpu.memory_space<semaphore_mem>>) src(%arg15 : memref<200x16xf32, #tpu.memory_space<vmem>>) dst(%dma_wait3A_78 : memref<200x16xf32, #tpu.memory_space<hbm>>)
      tpu.yield
    }) : () -> ()
    "tpu.region"() ({
      %run_scoped3A = tpu.sem_alloc : memref<!tpu.dma_semaphore, #tpu.memory_space<semaphore_mem>>
      %dma_start3A_71 = arith.constant 0 : i32
      %dma_start3A_72 = tpu.memref_slice %arg10[%multiple_of3A_42, %dma_start3A_71] : memref<320000x16xf32, #tpu.memory_space<hbm>> -> memref<200x16xf32, #tpu.memory_space<hbm>>
      %dma_start3A_73 = arith.constant 0 : i32
      %dma_start3A_74 = tpu.memref_slice %arg10[%multiple_of3A_42, %dma_start3A_73] : memref<320000x16xf32, #tpu.memory_space<hbm>> -> memref<200x16xf32, #tpu.memory_space<hbm>>
      tpu.enqueue_dma source(%arg16 : memref<200x16xf32, #tpu.memory_space<vmem>>) target(%dma_start3A_74 : memref<200x16xf32, #tpu.memory_space<hbm>>) target_semaphore(%run_scoped3A : memref<!tpu.dma_semaphore, #tpu.memory_space<semaphore_mem>>)
      %dma_wait3A_75 = arith.constant 0 : i32
      %dma_wait3A_76 = tpu.memref_slice %arg10[%multiple_of3A_42, %dma_wait3A_75] : memref<320000x16xf32, #tpu.memory_space<hbm>> -> memref<200x16xf32, #tpu.memory_space<hbm>>
      %dma_wait3A_77 = arith.constant 0 : i32
      %dma_wait3A_78 = tpu.memref_slice %arg10[%multiple_of3A_42, %dma_wait3A_77] : memref<320000x16xf32, #tpu.memory_space<hbm>> -> memref<200x16xf32, #tpu.memory_space<hbm>>
      tpu.wait_dma2 semaphore(%run_scoped3A : memref<!tpu.dma_semaphore, #tpu.memory_space<semaphore_mem>>) src(%arg16 : memref<200x16xf32, #tpu.memory_space<vmem>>) dst(%dma_wait3A_78 : memref<200x16xf32, #tpu.memory_space<hbm>>)
      tpu.yield
    }) : () -> ()
    %mul3A_54 = arith.constant 10000 : i32
    %mul3A_55 = arith.muli %add3A, %mul3A_54 : i32
    %add3A_56 = arith.constant 9800 : i32
    %add3A_57 = arith.addi %mul3A_55, %add3A_56 : i32
    %multiple_of3A_58 = tpu.assume_multiple %add3A_57, 8 : i32
    %dma_wait3A_59 = arith.constant 0 : i32
    %dma_wait3A_60 = arith.constant 0 : i32
    %dma_wait3A_61 = tpu.memref_slice %arg4[%dma_wait3A_59, %dma_wait3A_60] : memref<10000x128xf32, #tpu.memory_space<hbm>> -> memref<10000x128xf32, #tpu.memory_space<hbm>>
    tpu.wait_indirect_dma semaphore(%arg27 : memref<!tpu.dma_semaphore, #tpu.memory_space<semaphore_mem>>) src(%dma_wait3A_61 : memref<10000x128xf32, #tpu.memory_space<hbm>>) dst(%arg19 : memref<200x128xf32, #tpu.memory_space<vmem>>)
    %dma_wait3A_62 = arith.constant 0 : i32
    %dma_wait3A_63 = arith.constant 0 : i32
    %dma_wait3A_64 = tpu.memref_slice %arg5[%dma_wait3A_62, %dma_wait3A_63] : memref<10000x128xf32, #tpu.memory_space<hbm>> -> memref<10000x128xf32, #tpu.memory_space<hbm>>
    tpu.wait_indirect_dma semaphore(%arg28 : memref<!tpu.dma_semaphore, #tpu.memory_space<semaphore_mem>>) src(%dma_wait3A_64 : memref<10000x128xf32, #tpu.memory_space<hbm>>) dst(%arg20 : memref<200x128xf32, #tpu.memory_space<vmem>>)
    %dma_wait3A_65 = arith.constant 0 : i32
    %dma_wait3A_66 = arith.constant 0 : i32
    %dma_wait3A_67 = tpu.memref_slice %arg6[%dma_wait3A_65, %dma_wait3A_66] : memref<10000x16xf32, #tpu.memory_space<hbm>> -> memref<10000x16xf32, #tpu.memory_space<hbm>>
    tpu.wait_indirect_dma semaphore(%arg29 : memref<!tpu.dma_semaphore, #tpu.memory_space<semaphore_mem>>) src(%dma_wait3A_67 : memref<10000x16xf32, #tpu.memory_space<hbm>>) dst(%arg21 : memref<200x16xf32, #tpu.memory_space<vmem>>)
    %dma_wait3A_68 = arith.constant 0 : i32
    %dma_wait3A_69 = arith.constant 0 : i32
    %dma_wait3A_70 = tpu.memref_slice %arg6[%dma_wait3A_68, %dma_wait3A_69] : memref<10000x16xf32, #tpu.memory_space<hbm>> -> memref<10000x16xf32, #tpu.memory_space<hbm>>
    tpu.wait_indirect_dma semaphore(%arg30 : memref<!tpu.dma_semaphore, #tpu.memory_space<semaphore_mem>>) src(%dma_wait3A_70 : memref<10000x16xf32, #tpu.memory_space<hbm>>) dst(%arg22 : memref<200x16xf32, #tpu.memory_space<vmem>>)
    "tpu.region"() ({
      %run_scoped3A = tpu.sem_alloc : memref<!tpu.dma_semaphore, #tpu.memory_space<semaphore_mem>>
      %dma_start3A_71 = arith.constant 0 : i32
      %dma_start3A_72 = tpu.memref_slice %arg7[%multiple_of3A_58, %dma_start3A_71] : memref<320000x128xf32, #tpu.memory_space<hbm>> -> memref<200x128xf32, #tpu.memory_space<hbm>>
      %dma_start3A_73 = arith.constant 0 : i32
      %dma_start3A_74 = tpu.memref_slice %arg7[%multiple_of3A_58, %dma_start3A_73] : memref<320000x128xf32, #tpu.memory_space<hbm>> -> memref<200x128xf32, #tpu.memory_space<hbm>>
      tpu.enqueue_dma source(%arg19 : memref<200x128xf32, #tpu.memory_space<vmem>>) target(%dma_start3A_74 : memref<200x128xf32, #tpu.memory_space<hbm>>) target_semaphore(%run_scoped3A : memref<!tpu.dma_semaphore, #tpu.memory_space<semaphore_mem>>)
      %dma_wait3A_75 = arith.constant 0 : i32
      %dma_wait3A_76 = tpu.memref_slice %arg7[%multiple_of3A_58, %dma_wait3A_75] : memref<320000x128xf32, #tpu.memory_space<hbm>> -> memref<200x128xf32, #tpu.memory_space<hbm>>
      %dma_wait3A_77 = arith.constant 0 : i32
      %dma_wait3A_78 = tpu.memref_slice %arg7[%multiple_of3A_58, %dma_wait3A_77] : memref<320000x128xf32, #tpu.memory_space<hbm>> -> memref<200x128xf32, #tpu.memory_space<hbm>>
      tpu.wait_dma2 semaphore(%run_scoped3A : memref<!tpu.dma_semaphore, #tpu.memory_space<semaphore_mem>>) src(%arg19 : memref<200x128xf32, #tpu.memory_space<vmem>>) dst(%dma_wait3A_78 : memref<200x128xf32, #tpu.memory_space<hbm>>)
      tpu.yield
    }) : () -> ()
    "tpu.region"() ({
      %run_scoped3A = tpu.sem_alloc : memref<!tpu.dma_semaphore, #tpu.memory_space<semaphore_mem>>
      %dma_start3A_71 = arith.constant 0 : i32
      %dma_start3A_72 = tpu.memref_slice %arg8[%multiple_of3A_58, %dma_start3A_71] : memref<320000x128xf32, #tpu.memory_space<hbm>> -> memref<200x128xf32, #tpu.memory_space<hbm>>
      %dma_start3A_73 = arith.constant 0 : i32
      %dma_start3A_74 = tpu.memref_slice %arg8[%multiple_of3A_58, %dma_start3A_73] : memref<320000x128xf32, #tpu.memory_space<hbm>> -> memref<200x128xf32, #tpu.memory_space<hbm>>
      tpu.enqueue_dma source(%arg20 : memref<200x128xf32, #tpu.memory_space<vmem>>) target(%dma_start3A_74 : memref<200x128xf32, #tpu.memory_space<hbm>>) target_semaphore(%run_scoped3A : memref<!tpu.dma_semaphore, #tpu.memory_space<semaphore_mem>>)
      %dma_wait3A_75 = arith.constant 0 : i32
      %dma_wait3A_76 = tpu.memref_slice %arg8[%multiple_of3A_58, %dma_wait3A_75] : memref<320000x128xf32, #tpu.memory_space<hbm>> -> memref<200x128xf32, #tpu.memory_space<hbm>>
      %dma_wait3A_77 = arith.constant 0 : i32
      %dma_wait3A_78 = tpu.memref_slice %arg8[%multiple_of3A_58, %dma_wait3A_77] : memref<320000x128xf32, #tpu.memory_space<hbm>> -> memref<200x128xf32, #tpu.memory_space<hbm>>
      tpu.wait_dma2 semaphore(%run_scoped3A : memref<!tpu.dma_semaphore, #tpu.memory_space<semaphore_mem>>) src(%arg20 : memref<200x128xf32, #tpu.memory_space<vmem>>) dst(%dma_wait3A_78 : memref<200x128xf32, #tpu.memory_space<hbm>>)
      tpu.yield
    }) : () -> ()
    "tpu.region"() ({
      %run_scoped3A = tpu.sem_alloc : memref<!tpu.dma_semaphore, #tpu.memory_space<semaphore_mem>>
      %dma_start3A_71 = arith.constant 0 : i32
      %dma_start3A_72 = tpu.memref_slice %arg9[%multiple_of3A_58, %dma_start3A_71] : memref<320000x16xf32, #tpu.memory_space<hbm>> -> memref<200x16xf32, #tpu.memory_space<hbm>>
      %dma_start3A_73 = arith.constant 0 : i32
      %dma_start3A_74 = tpu.memref_slice %arg9[%multiple_of3A_58, %dma_start3A_73] : memref<320000x16xf32, #tpu.memory_space<hbm>> -> memref<200x16xf32, #tpu.memory_space<hbm>>
      tpu.enqueue_dma source(%arg21 : memref<200x16xf32, #tpu.memory_space<vmem>>) target(%dma_start3A_74 : memref<200x16xf32, #tpu.memory_space<hbm>>) target_semaphore(%run_scoped3A : memref<!tpu.dma_semaphore, #tpu.memory_space<semaphore_mem>>)
      %dma_wait3A_75 = arith.constant 0 : i32
      %dma_wait3A_76 = tpu.memref_slice %arg9[%multiple_of3A_58, %dma_wait3A_75] : memref<320000x16xf32, #tpu.memory_space<hbm>> -> memref<200x16xf32, #tpu.memory_space<hbm>>
      %dma_wait3A_77 = arith.constant 0 : i32
      %dma_wait3A_78 = tpu.memref_slice %arg9[%multiple_of3A_58, %dma_wait3A_77] : memref<320000x16xf32, #tpu.memory_space<hbm>> -> memref<200x16xf32, #tpu.memory_space<hbm>>
      tpu.wait_dma2 semaphore(%run_scoped3A : memref<!tpu.dma_semaphore, #tpu.memory_space<semaphore_mem>>) src(%arg21 : memref<200x16xf32, #tpu.memory_space<vmem>>) dst(%dma_wait3A_78 : memref<200x16xf32, #tpu.memory_space<hbm>>)
      tpu.yield
    }) : () -> ()
    "tpu.region"() ({
      %run_scoped3A = tpu.sem_alloc : memref<!tpu.dma_semaphore, #tpu.memory_space<semaphore_mem>>
      %dma_start3A_71 = arith.constant 0 : i32
      %dma_start3A_72 = tpu.memref_slice %arg10[%multiple_of3A_58, %dma_start3A_71] : memref<320000x16xf32, #tpu.memory_space<hbm>> -> memref<200x16xf32, #tpu.memory_space<hbm>>
      %dma_start3A_73 = arith.constant 0 : i32
      %dma_start3A_74 = tpu.memref_slice %arg10[%multiple_of3A_58, %dma_start3A_73] : memref<320000x16xf32, #tpu.memory_space<hbm>> -> memref<200x16xf32, #tpu.memory_space<hbm>>
      tpu.enqueue_dma source(%arg22 : memref<200x16xf32, #tpu.memory_space<vmem>>) target(%dma_start3A_74 : memref<200x16xf32, #tpu.memory_space<hbm>>) target_semaphore(%run_scoped3A : memref<!tpu.dma_semaphore, #tpu.memory_space<semaphore_mem>>)
      %dma_wait3A_75 = arith.constant 0 : i32
      %dma_wait3A_76 = tpu.memref_slice %arg10[%multiple_of3A_58, %dma_wait3A_75] : memref<320000x16xf32, #tpu.memory_space<hbm>> -> memref<200x16xf32, #tpu.memory_space<hbm>>
      %dma_wait3A_77 = arith.constant 0 : i32
      %dma_wait3A_78 = tpu.memref_slice %arg10[%multiple_of3A_58, %dma_wait3A_77] : memref<320000x16xf32, #tpu.memory_space<hbm>> -> memref<200x16xf32, #tpu.memory_space<hbm>>
      tpu.wait_dma2 semaphore(%run_scoped3A : memref<!tpu.dma_semaphore, #tpu.memory_space<semaphore_mem>>) src(%arg22 : memref<200x16xf32, #tpu.memory_space<vmem>>) dst(%dma_wait3A_78 : memref<200x16xf32, #tpu.memory_space<hbm>>)
      tpu.yield
    }) : () -> ()
    return
  }
}

#map = affine_map<(d0, d1) -> (0)>
#map1 = affine_map<(d0, d1) -> (0, 0)>
#map2 = affine_map<(d0, d1) -> (0, 0, 0)>
module attributes {stable_mosaic.version = 14 : i64} {
  func.func @_scatter_body(%arg0: i32, %arg1: i32, %arg2: memref<320000xi32, #tpu.memory_space<hbm>>, %arg3: memref<320000x128xf32, #tpu.memory_space<hbm>>, %arg4: memref<320000x16xf32, #tpu.memory_space<hbm>>, %arg5: memref<10000x128xf32, #tpu.memory_space<hbm>>, %arg6: memref<10000x16xf32, #tpu.memory_space<hbm>>, %arg7: memref<2x10000x128xf32, #tpu.memory_space<hbm>>, %arg8: memref<2x10000x16xf32, #tpu.memory_space<hbm>>, %arg9: memref<10000x128xf32, #tpu.memory_space<vmem_shared>>, %arg10: memref<10000x16xf32, #tpu.memory_space<vmem_shared>>, %arg11: memref<200xi32, #tpu.memory_space<vmem>>, %arg12: memref<200x128xf32, #tpu.memory_space<vmem>>, %arg13: memref<200x16xf32, #tpu.memory_space<vmem>>, %arg14: memref<!tpu.dma_semaphore, #tpu.memory_space<semaphore_mem>>, %arg15: memref<!tpu.dma_semaphore, #tpu.memory_space<semaphore_mem>>) attributes {dimension_semantics = [#tpu.dimension_semantics<core_parallel>, #tpu.dimension_semantics<subcore_parallel>], iteration_bounds = array<i64: 2, 16>, scalar_prefetch = 0 : i64, scratch_operands = 7 : i64, tpu.core_type = #tpu.core_type<sc_vector_subcore>, window_params = [{transform_indices = #map}, {transform_indices = #map1}, {transform_indices = #map1}, {transform_indices = #map1}, {transform_indices = #map1}, {transform_indices = #map2}, {transform_indices = #map2}]} {
    %mul3A = arith.constant 624 : i32
    %mul3A_0 = arith.muli %arg1, %mul3A : i32
    %multiple_of3A = tpu.assume_multiple %mul3A_0, 8 : i32
    "tpu.region"() ({
      %run_scoped3A = tpu.sem_alloc : memref<!tpu.dma_semaphore, #tpu.memory_space<semaphore_mem>>
      %dma_start3A = arith.constant 0 : i32
      %dma_start3A_14 = tpu.memref_slice %arg9[%multiple_of3A, %dma_start3A] : memref<10000x128xf32, #tpu.memory_space<vmem_shared>> -> memref<624x128xf32, #tpu.memory_space<vmem_shared>>
      %dma_start3A_15 = arith.constant 0 : i32
      %dma_start3A_16 = tpu.memref_slice %arg5[%multiple_of3A, %dma_start3A_15] : memref<10000x128xf32, #tpu.memory_space<hbm>> -> memref<624x128xf32, #tpu.memory_space<hbm>>
      tpu.enqueue_dma source(%dma_start3A_16 : memref<624x128xf32, #tpu.memory_space<hbm>>) target(%dma_start3A_14 : memref<624x128xf32, #tpu.memory_space<vmem_shared>>) target_semaphore(%run_scoped3A : memref<!tpu.dma_semaphore, #tpu.memory_space<semaphore_mem>>)
      %dma_wait3A = arith.constant 0 : i32
      %dma_wait3A_17 = tpu.memref_slice %arg9[%multiple_of3A, %dma_wait3A] : memref<10000x128xf32, #tpu.memory_space<vmem_shared>> -> memref<624x128xf32, #tpu.memory_space<vmem_shared>>
      %dma_wait3A_18 = arith.constant 0 : i32
      %dma_wait3A_19 = tpu.memref_slice %arg5[%multiple_of3A, %dma_wait3A_18] : memref<10000x128xf32, #tpu.memory_space<hbm>> -> memref<624x128xf32, #tpu.memory_space<hbm>>
      tpu.wait_dma2 semaphore(%run_scoped3A : memref<!tpu.dma_semaphore, #tpu.memory_space<semaphore_mem>>) src(%dma_wait3A_19 : memref<624x128xf32, #tpu.memory_space<hbm>>) dst(%dma_wait3A_17 : memref<624x128xf32, #tpu.memory_space<vmem_shared>>)
      tpu.yield
    }) : () -> ()
    "tpu.region"() ({
      %run_scoped3A = tpu.sem_alloc : memref<!tpu.dma_semaphore, #tpu.memory_space<semaphore_mem>>
      %dma_start3A = arith.constant 0 : i32
      %dma_start3A_14 = tpu.memref_slice %arg10[%multiple_of3A, %dma_start3A] : memref<10000x16xf32, #tpu.memory_space<vmem_shared>> -> memref<624x16xf32, #tpu.memory_space<vmem_shared>>
      %dma_start3A_15 = arith.constant 0 : i32
      %dma_start3A_16 = tpu.memref_slice %arg6[%multiple_of3A, %dma_start3A_15] : memref<10000x16xf32, #tpu.memory_space<hbm>> -> memref<624x16xf32, #tpu.memory_space<hbm>>
      tpu.enqueue_dma source(%dma_start3A_16 : memref<624x16xf32, #tpu.memory_space<hbm>>) target(%dma_start3A_14 : memref<624x16xf32, #tpu.memory_space<vmem_shared>>) target_semaphore(%run_scoped3A : memref<!tpu.dma_semaphore, #tpu.memory_space<semaphore_mem>>)
      %dma_wait3A = arith.constant 0 : i32
      %dma_wait3A_17 = tpu.memref_slice %arg10[%multiple_of3A, %dma_wait3A] : memref<10000x16xf32, #tpu.memory_space<vmem_shared>> -> memref<624x16xf32, #tpu.memory_space<vmem_shared>>
      %dma_wait3A_18 = arith.constant 0 : i32
      %dma_wait3A_19 = tpu.memref_slice %arg6[%multiple_of3A, %dma_wait3A_18] : memref<10000x16xf32, #tpu.memory_space<hbm>> -> memref<624x16xf32, #tpu.memory_space<hbm>>
      tpu.wait_dma2 semaphore(%run_scoped3A : memref<!tpu.dma_semaphore, #tpu.memory_space<semaphore_mem>>) src(%dma_wait3A_19 : memref<624x16xf32, #tpu.memory_space<hbm>>) dst(%dma_wait3A_17 : memref<624x16xf32, #tpu.memory_space<vmem_shared>>)
      tpu.yield
    }) : () -> ()
    %eq3A = arith.constant 15 : i32
    %eq3A_1 = arith.cmpi eq, %arg1, %eq3A : i32
    %convert_element_type3A = arith.extui %eq3A_1 : i1 to i32
    %cond3A = arith.constant 0 : i32
    %cond3A_2 = arith.cmpi ne, %convert_element_type3A, %cond3A : i32
    scf.if %cond3A_2 {
      "tpu.region"() ({
        %run_scoped3A = tpu.sem_alloc : memref<!tpu.dma_semaphore, #tpu.memory_space<semaphore_mem>>
        %dma_start3A = arith.constant 9984 : i32
        %dma_start3A_14 = arith.constant 0 : i32
        %dma_start3A_15 = tpu.memref_slice %arg9[%dma_start3A, %dma_start3A_14] : memref<10000x128xf32, #tpu.memory_space<vmem_shared>> -> memref<16x128xf32, #tpu.memory_space<vmem_shared>>
        %dma_start3A_16 = arith.constant 9984 : i32
        %dma_start3A_17 = arith.constant 0 : i32
        %dma_start3A_18 = tpu.memref_slice %arg5[%dma_start3A_16, %dma_start3A_17] : memref<10000x128xf32, #tpu.memory_space<hbm>> -> memref<16x128xf32, #tpu.memory_space<hbm>>
        tpu.enqueue_dma source(%dma_start3A_18 : memref<16x128xf32, #tpu.memory_space<hbm>>) target(%dma_start3A_15 : memref<16x128xf32, #tpu.memory_space<vmem_shared>>) target_semaphore(%run_scoped3A : memref<!tpu.dma_semaphore, #tpu.memory_space<semaphore_mem>>)
        %dma_wait3A = arith.constant 9984 : i32
        %dma_wait3A_19 = arith.constant 0 : i32
        %dma_wait3A_20 = tpu.memref_slice %arg9[%dma_wait3A, %dma_wait3A_19] : memref<10000x128xf32, #tpu.memory_space<vmem_shared>> -> memref<16x128xf32, #tpu.memory_space<vmem_shared>>
        %dma_wait3A_21 = arith.constant 9984 : i32
        %dma_wait3A_22 = arith.constant 0 : i32
        %dma_wait3A_23 = tpu.memref_slice %arg5[%dma_wait3A_21, %dma_wait3A_22] : memref<10000x128xf32, #tpu.memory_space<hbm>> -> memref<16x128xf32, #tpu.memory_space<hbm>>
        tpu.wait_dma2 semaphore(%run_scoped3A : memref<!tpu.dma_semaphore, #tpu.memory_space<semaphore_mem>>) src(%dma_wait3A_23 : memref<16x128xf32, #tpu.memory_space<hbm>>) dst(%dma_wait3A_20 : memref<16x128xf32, #tpu.memory_space<vmem_shared>>)
        tpu.yield
      }) : () -> ()
      "tpu.region"() ({
        %run_scoped3A = tpu.sem_alloc : memref<!tpu.dma_semaphore, #tpu.memory_space<semaphore_mem>>
        %dma_start3A = arith.constant 9984 : i32
        %dma_start3A_14 = arith.constant 0 : i32
        %dma_start3A_15 = tpu.memref_slice %arg10[%dma_start3A, %dma_start3A_14] : memref<10000x16xf32, #tpu.memory_space<vmem_shared>> -> memref<16x16xf32, #tpu.memory_space<vmem_shared>>
        %dma_start3A_16 = arith.constant 9984 : i32
        %dma_start3A_17 = arith.constant 0 : i32
        %dma_start3A_18 = tpu.memref_slice %arg6[%dma_start3A_16, %dma_start3A_17] : memref<10000x16xf32, #tpu.memory_space<hbm>> -> memref<16x16xf32, #tpu.memory_space<hbm>>
        tpu.enqueue_dma source(%dma_start3A_18 : memref<16x16xf32, #tpu.memory_space<hbm>>) target(%dma_start3A_15 : memref<16x16xf32, #tpu.memory_space<vmem_shared>>) target_semaphore(%run_scoped3A : memref<!tpu.dma_semaphore, #tpu.memory_space<semaphore_mem>>)
        %dma_wait3A = arith.constant 9984 : i32
        %dma_wait3A_19 = arith.constant 0 : i32
        %dma_wait3A_20 = tpu.memref_slice %arg10[%dma_wait3A, %dma_wait3A_19] : memref<10000x16xf32, #tpu.memory_space<vmem_shared>> -> memref<16x16xf32, #tpu.memory_space<vmem_shared>>
        %dma_wait3A_21 = arith.constant 9984 : i32
        %dma_wait3A_22 = arith.constant 0 : i32
        %dma_wait3A_23 = tpu.memref_slice %arg6[%dma_wait3A_21, %dma_wait3A_22] : memref<10000x16xf32, #tpu.memory_space<hbm>> -> memref<16x16xf32, #tpu.memory_space<hbm>>
        tpu.wait_dma2 semaphore(%run_scoped3A : memref<!tpu.dma_semaphore, #tpu.memory_space<semaphore_mem>>) src(%dma_wait3A_23 : memref<16x16xf32, #tpu.memory_space<hbm>>) dst(%dma_wait3A_20 : memref<16x16xf32, #tpu.memory_space<vmem_shared>>)
        tpu.yield
      }) : () -> ()
    } else {
    }
    %barrier3A = arith.constant 0 : index
    tpu.barrier barrier_id(%barrier3A)
    %scan3A = arith.constant 0 : i32
    %scan3A_3 = arith.constant 0 : i32
    %scan3A_4 = arith.constant 50 : i32
    %scan3A_5 = arith.addi %scan3A_3, %scan3A_4 : i32
    %scan3A_6 = arith.constant 1 : i32
    scf.for %scan3A_14 = %scan3A_3 to %scan3A_5 step %scan3A_6  : i32 {
      %mul3A_15 = arith.constant 16 : i32
      %mul3A_16 = arith.muli %arg0, %mul3A_15 : i32
      %add3A = arith.addi %mul3A_16, %arg1 : i32
      %mul3A_17 = arith.constant 10000 : i32
      %mul3A_18 = arith.muli %add3A, %mul3A_17 : i32
      %mul3A_19 = arith.constant 200 : i32
      %mul3A_20 = arith.muli %scan3A_14, %mul3A_19 : i32
      %add3A_21 = arith.addi %mul3A_18, %mul3A_20 : i32
      %multiple_of3A_22 = tpu.assume_multiple %add3A_21, 8 : i32
      "tpu.region"() ({
        %run_scoped3A = tpu.sem_alloc : memref<!tpu.dma_semaphore, #tpu.memory_space<semaphore_mem>>
        %dma_start3A_37 = tpu.memref_slice %arg2[%multiple_of3A_22] : memref<320000xi32, #tpu.memory_space<hbm>> -> memref<200xi32, #tpu.memory_space<hbm>>
        %dma_start3A_38 = tpu.memref_slice %arg2[%multiple_of3A_22] : memref<320000xi32, #tpu.memory_space<hbm>> -> memref<200xi32, #tpu.memory_space<hbm>>
        tpu.enqueue_dma source(%dma_start3A_38 : memref<200xi32, #tpu.memory_space<hbm>>) target(%arg11 : memref<200xi32, #tpu.memory_space<vmem>>) target_semaphore(%run_scoped3A : memref<!tpu.dma_semaphore, #tpu.memory_space<semaphore_mem>>)
        %dma_wait3A_39 = tpu.memref_slice %arg2[%multiple_of3A_22] : memref<320000xi32, #tpu.memory_space<hbm>> -> memref<200xi32, #tpu.memory_space<hbm>>
        %dma_wait3A_40 = tpu.memref_slice %arg2[%multiple_of3A_22] : memref<320000xi32, #tpu.memory_space<hbm>> -> memref<200xi32, #tpu.memory_space<hbm>>
        tpu.wait_dma2 semaphore(%run_scoped3A : memref<!tpu.dma_semaphore, #tpu.memory_space<semaphore_mem>>) src(%dma_wait3A_40 : memref<200xi32, #tpu.memory_space<hbm>>) dst(%arg11 : memref<200xi32, #tpu.memory_space<vmem>>)
        tpu.yield
      }) : () -> ()
      %dma_start3A = arith.constant 0 : i32
      %dma_start3A_23 = tpu.memref_slice %arg3[%multiple_of3A_22, %dma_start3A] : memref<320000x128xf32, #tpu.memory_space<hbm>> -> memref<200x128xf32, #tpu.memory_space<hbm>>
      %dma_start3A_24 = arith.constant 0 : i32
      %dma_start3A_25 = tpu.memref_slice %arg3[%multiple_of3A_22, %dma_start3A_24] : memref<320000x128xf32, #tpu.memory_space<hbm>> -> memref<200x128xf32, #tpu.memory_space<hbm>>
      tpu.enqueue_dma source(%dma_start3A_25 : memref<200x128xf32, #tpu.memory_space<hbm>>) target(%arg12 : memref<200x128xf32, #tpu.memory_space<vmem>>) target_semaphore(%arg14 : memref<!tpu.dma_semaphore, #tpu.memory_space<semaphore_mem>>)
      %dma_start3A_26 = arith.constant 0 : i32
      %dma_start3A_27 = tpu.memref_slice %arg4[%multiple_of3A_22, %dma_start3A_26] : memref<320000x16xf32, #tpu.memory_space<hbm>> -> memref<200x16xf32, #tpu.memory_space<hbm>>
      %dma_start3A_28 = arith.constant 0 : i32
      %dma_start3A_29 = tpu.memref_slice %arg4[%multiple_of3A_22, %dma_start3A_28] : memref<320000x16xf32, #tpu.memory_space<hbm>> -> memref<200x16xf32, #tpu.memory_space<hbm>>
      tpu.enqueue_dma source(%dma_start3A_29 : memref<200x16xf32, #tpu.memory_space<hbm>>) target(%arg13 : memref<200x16xf32, #tpu.memory_space<vmem>>) target_semaphore(%arg15 : memref<!tpu.dma_semaphore, #tpu.memory_space<semaphore_mem>>)
      %dma_wait3A = arith.constant 0 : i32
      %dma_wait3A_30 = tpu.memref_slice %arg3[%multiple_of3A_22, %dma_wait3A] : memref<320000x128xf32, #tpu.memory_space<hbm>> -> memref<200x128xf32, #tpu.memory_space<hbm>>
      %dma_wait3A_31 = arith.constant 0 : i32
      %dma_wait3A_32 = tpu.memref_slice %arg3[%multiple_of3A_22, %dma_wait3A_31] : memref<320000x128xf32, #tpu.memory_space<hbm>> -> memref<200x128xf32, #tpu.memory_space<hbm>>
      tpu.wait_dma2 semaphore(%arg14 : memref<!tpu.dma_semaphore, #tpu.memory_space<semaphore_mem>>) src(%dma_wait3A_32 : memref<200x128xf32, #tpu.memory_space<hbm>>) dst(%arg12 : memref<200x128xf32, #tpu.memory_space<vmem>>)
      %dma_wait3A_33 = arith.constant 0 : i32
      %dma_wait3A_34 = tpu.memref_slice %arg4[%multiple_of3A_22, %dma_wait3A_33] : memref<320000x16xf32, #tpu.memory_space<hbm>> -> memref<200x16xf32, #tpu.memory_space<hbm>>
      %dma_wait3A_35 = arith.constant 0 : i32
      %dma_wait3A_36 = tpu.memref_slice %arg4[%multiple_of3A_22, %dma_wait3A_35] : memref<320000x16xf32, #tpu.memory_space<hbm>> -> memref<200x16xf32, #tpu.memory_space<hbm>>
      tpu.wait_dma2 semaphore(%arg15 : memref<!tpu.dma_semaphore, #tpu.memory_space<semaphore_mem>>) src(%dma_wait3A_36 : memref<200x16xf32, #tpu.memory_space<hbm>>) dst(%arg13 : memref<200x16xf32, #tpu.memory_space<vmem>>)
      "tpu.region"() ({
        %run_scoped3A = tpu.sem_alloc : memref<!tpu.dma_semaphore, #tpu.memory_space<semaphore_mem>>
        %dma_start3A_37 = arith.constant 0 : i32
        %dma_start3A_38 = arith.constant 0 : i32
        %dma_start3A_39 = tpu.memref_slice %arg9[%dma_start3A_37, %dma_start3A_38] : memref<10000x128xf32, #tpu.memory_space<vmem_shared>> -> memref<10000x128xf32, #tpu.memory_space<vmem_shared>>
        tpu.enqueue_indirect_dma source(%arg12 : memref<200x128xf32, #tpu.memory_space<vmem>>) target(%dma_start3A_39 : memref<10000x128xf32, #tpu.memory_space<vmem_shared>>) offsets(%arg11 : memref<200xi32, #tpu.memory_space<vmem>>) semaphore(%run_scoped3A : memref<!tpu.dma_semaphore, #tpu.memory_space<semaphore_mem>>) {add = true}
        %dma_wait3A_40 = arith.constant 0 : i32
        %dma_wait3A_41 = arith.constant 0 : i32
        %dma_wait3A_42 = tpu.memref_slice %arg9[%dma_wait3A_40, %dma_wait3A_41] : memref<10000x128xf32, #tpu.memory_space<vmem_shared>> -> memref<10000x128xf32, #tpu.memory_space<vmem_shared>>
        tpu.wait_indirect_dma semaphore(%run_scoped3A : memref<!tpu.dma_semaphore, #tpu.memory_space<semaphore_mem>>) src(%arg12 : memref<200x128xf32, #tpu.memory_space<vmem>>) dst(%dma_wait3A_42 : memref<10000x128xf32, #tpu.memory_space<vmem_shared>>)
        tpu.yield
      }) : () -> ()
      "tpu.region"() ({
        %run_scoped3A = tpu.sem_alloc : memref<!tpu.dma_semaphore, #tpu.memory_space<semaphore_mem>>
        %dma_start3A_37 = arith.constant 0 : i32
        %dma_start3A_38 = arith.constant 0 : i32
        %dma_start3A_39 = tpu.memref_slice %arg10[%dma_start3A_37, %dma_start3A_38] : memref<10000x16xf32, #tpu.memory_space<vmem_shared>> -> memref<10000x16xf32, #tpu.memory_space<vmem_shared>>
        tpu.enqueue_indirect_dma source(%arg13 : memref<200x16xf32, #tpu.memory_space<vmem>>) target(%dma_start3A_39 : memref<10000x16xf32, #tpu.memory_space<vmem_shared>>) offsets(%arg11 : memref<200xi32, #tpu.memory_space<vmem>>) semaphore(%run_scoped3A : memref<!tpu.dma_semaphore, #tpu.memory_space<semaphore_mem>>) {add = true}
        %dma_wait3A_40 = arith.constant 0 : i32
        %dma_wait3A_41 = arith.constant 0 : i32
        %dma_wait3A_42 = tpu.memref_slice %arg10[%dma_wait3A_40, %dma_wait3A_41] : memref<10000x16xf32, #tpu.memory_space<vmem_shared>> -> memref<10000x16xf32, #tpu.memory_space<vmem_shared>>
        tpu.wait_indirect_dma semaphore(%run_scoped3A : memref<!tpu.dma_semaphore, #tpu.memory_space<semaphore_mem>>) src(%arg13 : memref<200x16xf32, #tpu.memory_space<vmem>>) dst(%dma_wait3A_42 : memref<10000x16xf32, #tpu.memory_space<vmem_shared>>)
        tpu.yield
      }) : () -> ()
    }
    %scan3A_7 = arith.constant 50 : i32
    %barrier3A_8 = arith.constant 0 : index
    tpu.barrier barrier_id(%barrier3A_8)
    "tpu.region"() ({
      %run_scoped3A = tpu.sem_alloc : memref<!tpu.dma_semaphore, #tpu.memory_space<semaphore_mem>>
      %dma_start3A = arith.constant 0 : i32
      %dma_start3A_14 = tpu.memref_slice %arg7[%arg0, %multiple_of3A, %dma_start3A] : memref<2x10000x128xf32, #tpu.memory_space<hbm>> -> memref<1x624x128xf32, #tpu.memory_space<hbm>>
      %dma_start3A_15 = tpu.memref_squeeze %dma_start3A_14 : memref<1x624x128xf32, #tpu.memory_space<hbm>> -> memref<624x128xf32, #tpu.memory_space<hbm>>
      %dma_start3A_16 = arith.constant 0 : i32
      %dma_start3A_17 = tpu.memref_slice %arg9[%multiple_of3A, %dma_start3A_16] : memref<10000x128xf32, #tpu.memory_space<vmem_shared>> -> memref<624x128xf32, #tpu.memory_space<vmem_shared>>
      tpu.enqueue_dma source(%dma_start3A_17 : memref<624x128xf32, #tpu.memory_space<vmem_shared>>) target(%dma_start3A_15 : memref<624x128xf32, #tpu.memory_space<hbm>>) target_semaphore(%run_scoped3A : memref<!tpu.dma_semaphore, #tpu.memory_space<semaphore_mem>>)
      %dma_wait3A = arith.constant 0 : i32
      %dma_wait3A_18 = tpu.memref_slice %arg7[%arg0, %multiple_of3A, %dma_wait3A] : memref<2x10000x128xf32, #tpu.memory_space<hbm>> -> memref<1x624x128xf32, #tpu.memory_space<hbm>>
      %dma_wait3A_19 = tpu.memref_squeeze %dma_wait3A_18 : memref<1x624x128xf32, #tpu.memory_space<hbm>> -> memref<624x128xf32, #tpu.memory_space<hbm>>
      %dma_wait3A_20 = arith.constant 0 : i32
      %dma_wait3A_21 = tpu.memref_slice %arg9[%multiple_of3A, %dma_wait3A_20] : memref<10000x128xf32, #tpu.memory_space<vmem_shared>> -> memref<624x128xf32, #tpu.memory_space<vmem_shared>>
      tpu.wait_dma2 semaphore(%run_scoped3A : memref<!tpu.dma_semaphore, #tpu.memory_space<semaphore_mem>>) src(%dma_wait3A_21 : memref<624x128xf32, #tpu.memory_space<vmem_shared>>) dst(%dma_wait3A_19 : memref<624x128xf32, #tpu.memory_space<hbm>>)
      tpu.yield
    }) : () -> ()
    "tpu.region"() ({
      %run_scoped3A = tpu.sem_alloc : memref<!tpu.dma_semaphore, #tpu.memory_space<semaphore_mem>>
      %dma_start3A = arith.constant 0 : i32
      %dma_start3A_14 = tpu.memref_slice %arg8[%arg0, %multiple_of3A, %dma_start3A] : memref<2x10000x16xf32, #tpu.memory_space<hbm>> -> memref<1x624x16xf32, #tpu.memory_space<hbm>>
      %dma_start3A_15 = tpu.memref_squeeze %dma_start3A_14 : memref<1x624x16xf32, #tpu.memory_space<hbm>> -> memref<624x16xf32, #tpu.memory_space<hbm>>
      %dma_start3A_16 = arith.constant 0 : i32
      %dma_start3A_17 = tpu.memref_slice %arg10[%multiple_of3A, %dma_start3A_16] : memref<10000x16xf32, #tpu.memory_space<vmem_shared>> -> memref<624x16xf32, #tpu.memory_space<vmem_shared>>
      tpu.enqueue_dma source(%dma_start3A_17 : memref<624x16xf32, #tpu.memory_space<vmem_shared>>) target(%dma_start3A_15 : memref<624x16xf32, #tpu.memory_space<hbm>>) target_semaphore(%run_scoped3A : memref<!tpu.dma_semaphore, #tpu.memory_space<semaphore_mem>>)
      %dma_wait3A = arith.constant 0 : i32
      %dma_wait3A_18 = tpu.memref_slice %arg8[%arg0, %multiple_of3A, %dma_wait3A] : memref<2x10000x16xf32, #tpu.memory_space<hbm>> -> memref<1x624x16xf32, #tpu.memory_space<hbm>>
      %dma_wait3A_19 = tpu.memref_squeeze %dma_wait3A_18 : memref<1x624x16xf32, #tpu.memory_space<hbm>> -> memref<624x16xf32, #tpu.memory_space<hbm>>
      %dma_wait3A_20 = arith.constant 0 : i32
      %dma_wait3A_21 = tpu.memref_slice %arg10[%multiple_of3A, %dma_wait3A_20] : memref<10000x16xf32, #tpu.memory_space<vmem_shared>> -> memref<624x16xf32, #tpu.memory_space<vmem_shared>>
      tpu.wait_dma2 semaphore(%run_scoped3A : memref<!tpu.dma_semaphore, #tpu.memory_space<semaphore_mem>>) src(%dma_wait3A_21 : memref<624x16xf32, #tpu.memory_space<vmem_shared>>) dst(%dma_wait3A_19 : memref<624x16xf32, #tpu.memory_space<hbm>>)
      tpu.yield
    }) : () -> ()
    %eq3A_9 = arith.constant 15 : i32
    %eq3A_10 = arith.cmpi eq, %arg1, %eq3A_9 : i32
    %convert_element_type3A_11 = arith.extui %eq3A_10 : i1 to i32
    %cond3A_12 = arith.constant 0 : i32
    %cond3A_13 = arith.cmpi ne, %convert_element_type3A_11, %cond3A_12 : i32
    scf.if %cond3A_13 {
      "tpu.region"() ({
        %run_scoped3A = tpu.sem_alloc : memref<!tpu.dma_semaphore, #tpu.memory_space<semaphore_mem>>
        %dma_start3A = arith.constant 9984 : i32
        %dma_start3A_14 = arith.constant 0 : i32
        %dma_start3A_15 = tpu.memref_slice %arg7[%arg0, %dma_start3A, %dma_start3A_14] : memref<2x10000x128xf32, #tpu.memory_space<hbm>> -> memref<1x16x128xf32, #tpu.memory_space<hbm>>
        %dma_start3A_16 = tpu.memref_squeeze %dma_start3A_15 : memref<1x16x128xf32, #tpu.memory_space<hbm>> -> memref<16x128xf32, #tpu.memory_space<hbm>>
        %dma_start3A_17 = arith.constant 9984 : i32
        %dma_start3A_18 = arith.constant 0 : i32
        %dma_start3A_19 = tpu.memref_slice %arg9[%dma_start3A_17, %dma_start3A_18] : memref<10000x128xf32, #tpu.memory_space<vmem_shared>> -> memref<16x128xf32, #tpu.memory_space<vmem_shared>>
        tpu.enqueue_dma source(%dma_start3A_19 : memref<16x128xf32, #tpu.memory_space<vmem_shared>>) target(%dma_start3A_16 : memref<16x128xf32, #tpu.memory_space<hbm>>) target_semaphore(%run_scoped3A : memref<!tpu.dma_semaphore, #tpu.memory_space<semaphore_mem>>)
        %dma_wait3A = arith.constant 9984 : i32
        %dma_wait3A_20 = arith.constant 0 : i32
        %dma_wait3A_21 = tpu.memref_slice %arg7[%arg0, %dma_wait3A, %dma_wait3A_20] : memref<2x10000x128xf32, #tpu.memory_space<hbm>> -> memref<1x16x128xf32, #tpu.memory_space<hbm>>
        %dma_wait3A_22 = tpu.memref_squeeze %dma_wait3A_21 : memref<1x16x128xf32, #tpu.memory_space<hbm>> -> memref<16x128xf32, #tpu.memory_space<hbm>>
        %dma_wait3A_23 = arith.constant 9984 : i32
        %dma_wait3A_24 = arith.constant 0 : i32
        %dma_wait3A_25 = tpu.memref_slice %arg9[%dma_wait3A_23, %dma_wait3A_24] : memref<10000x128xf32, #tpu.memory_space<vmem_shared>> -> memref<16x128xf32, #tpu.memory_space<vmem_shared>>
        tpu.wait_dma2 semaphore(%run_scoped3A : memref<!tpu.dma_semaphore, #tpu.memory_space<semaphore_mem>>) src(%dma_wait3A_25 : memref<16x128xf32, #tpu.memory_space<vmem_shared>>) dst(%dma_wait3A_22 : memref<16x128xf32, #tpu.memory_space<hbm>>)
        tpu.yield
      }) : () -> ()
      "tpu.region"() ({
        %run_scoped3A = tpu.sem_alloc : memref<!tpu.dma_semaphore, #tpu.memory_space<semaphore_mem>>
        %dma_start3A = arith.constant 9984 : i32
        %dma_start3A_14 = arith.constant 0 : i32
        %dma_start3A_15 = tpu.memref_slice %arg8[%arg0, %dma_start3A, %dma_start3A_14] : memref<2x10000x16xf32, #tpu.memory_space<hbm>> -> memref<1x16x16xf32, #tpu.memory_space<hbm>>
        %dma_start3A_16 = tpu.memref_squeeze %dma_start3A_15 : memref<1x16x16xf32, #tpu.memory_space<hbm>> -> memref<16x16xf32, #tpu.memory_space<hbm>>
        %dma_start3A_17 = arith.constant 9984 : i32
        %dma_start3A_18 = arith.constant 0 : i32
        %dma_start3A_19 = tpu.memref_slice %arg10[%dma_start3A_17, %dma_start3A_18] : memref<10000x16xf32, #tpu.memory_space<vmem_shared>> -> memref<16x16xf32, #tpu.memory_space<vmem_shared>>
        tpu.enqueue_dma source(%dma_start3A_19 : memref<16x16xf32, #tpu.memory_space<vmem_shared>>) target(%dma_start3A_16 : memref<16x16xf32, #tpu.memory_space<hbm>>) target_semaphore(%run_scoped3A : memref<!tpu.dma_semaphore, #tpu.memory_space<semaphore_mem>>)
        %dma_wait3A = arith.constant 9984 : i32
        %dma_wait3A_20 = arith.constant 0 : i32
        %dma_wait3A_21 = tpu.memref_slice %arg8[%arg0, %dma_wait3A, %dma_wait3A_20] : memref<2x10000x16xf32, #tpu.memory_space<hbm>> -> memref<1x16x16xf32, #tpu.memory_space<hbm>>
        %dma_wait3A_22 = tpu.memref_squeeze %dma_wait3A_21 : memref<1x16x16xf32, #tpu.memory_space<hbm>> -> memref<16x16xf32, #tpu.memory_space<hbm>>
        %dma_wait3A_23 = arith.constant 9984 : i32
        %dma_wait3A_24 = arith.constant 0 : i32
        %dma_wait3A_25 = tpu.memref_slice %arg10[%dma_wait3A_23, %dma_wait3A_24] : memref<10000x16xf32, #tpu.memory_space<vmem_shared>> -> memref<16x16xf32, #tpu.memory_space<vmem_shared>>
        tpu.wait_dma2 semaphore(%run_scoped3A : memref<!tpu.dma_semaphore, #tpu.memory_space<semaphore_mem>>) src(%dma_wait3A_25 : memref<16x16xf32, #tpu.memory_space<vmem_shared>>) dst(%dma_wait3A_22 : memref<16x16xf32, #tpu.memory_space<hbm>>)
        tpu.yield
      }) : () -> ()
    } else {
    }
    return
  }
}

module attributes {stable_mosaic.version = 14 : i64} {
  func.func @_prep_body(%arg0: i32, %arg1: memref<2000x128xf32, #tpu.memory_space<vmem>>, %arg2: memref<128x128xf32, #tpu.memory_space<vmem>>, %arg3: memref<128x128xf32, #tpu.memory_space<vmem>>, %arg4: memref<2000x128xf32, #tpu.memory_space<vmem>>, %arg5: memref<2000x128xf32, #tpu.memory_space<vmem>>) attributes {dimension_semantics = [#tpu.dimension_semantics<arbitrary>], iteration_bounds = array<i64: 5>, scalar_prefetch = 0 : i64, scratch_operands = 0 : i64, tpu.core_type = #tpu.core_type<tc>, window_params = [{transform_indices = @transform_0, window_bounds = array<i64: 2000, 128>}, {pipeline_mode = #tpu.pipeline_mode<synchronous>, transform_indices = @transform_1, window_bounds = array<i64: 128, 128>}, {pipeline_mode = #tpu.pipeline_mode<synchronous>, transform_indices = @transform_2, window_bounds = array<i64: 128, 128>}, {transform_indices = @transform_3, window_bounds = array<i64: 2000, 128>}, {transform_indices = @transform_4, window_bounds = array<i64: 2000, 128>}]} {
    %get3A = arith.constant 0 : index
    %get3A_0 = arith.constant 0 : index
    %get3A_1 = vector.load %arg1[%get3A, %get3A_0] : memref<2000x128xf32, #tpu.memory_space<vmem>>, vector<2000x128xf32>
    %get3A_2 = arith.constant 0 : index
    %get3A_3 = arith.constant 0 : index
    %get3A_4 = vector.load %arg2[%get3A_2, %get3A_3] : memref<128x128xf32, #tpu.memory_space<vmem>>, vector<128x128xf32>
    %dot_general3A = arith.constant dense<0.000000e+00> : vector<2000x128xf32>
    %dot_general3A_5 = tpu.matmul %get3A_1, %get3A_4, %dot_general3A {dimension_numbers = #tpu.dot_dimension_numbers<[1], [0], [0], [1], [0, 0, 1, 1], [], []>, transpose_lhs_hint = false} : vector<2000x128xf32>, vector<128x128xf32>, vector<2000x128xf32> -> vector<2000x128xf32>
    %swap3A = arith.constant 0 : index
    %swap3A_6 = arith.constant 0 : index
    %swap3A_7 = vector.load %arg4[%swap3A, %swap3A_6] : memref<2000x128xf32, #tpu.memory_space<vmem>>, vector<2000x128xf32>
    tpu.vector_store %arg4[%swap3A, %swap3A_6], %dot_general3A_5 {strides = array<i32>} : memref<2000x128xf32, #tpu.memory_space<vmem>>, vector<2000x128xf32>,
    %get3A_8 = arith.constant 0 : index
    %get3A_9 = arith.constant 0 : index
    %get3A_10 = vector.load %arg3[%get3A_8, %get3A_9] : memref<128x128xf32, #tpu.memory_space<vmem>>, vector<128x128xf32>
    %dot_general3A_11 = arith.constant dense<0.000000e+00> : vector<2000x128xf32>
    %dot_general3A_12 = tpu.matmul %get3A_1, %get3A_10, %dot_general3A_11 {dimension_numbers = #tpu.dot_dimension_numbers<[1], [0], [0], [1], [0, 0, 1, 1], [], []>, transpose_lhs_hint = false} : vector<2000x128xf32>, vector<128x128xf32>, vector<2000x128xf32> -> vector<2000x128xf32>
    %swap3A_13 = arith.constant 0 : index
    %swap3A_14 = arith.constant 0 : index
    %swap3A_15 = vector.load %arg5[%swap3A_13, %swap3A_14] : memref<2000x128xf32, #tpu.memory_space<vmem>>, vector<2000x128xf32>
    tpu.vector_store %arg5[%swap3A_13, %swap3A_14], %dot_general3A_12 {strides = array<i32>} : memref<2000x128xf32, #tpu.memory_space<vmem>>, vector<2000x128xf32>,
    return
  }
  func.func @transform_0(%arg0: i32) -> (i32, i32) {
    %c0_i32 = arith.constant 0 : i32
    %c0_i32_0 = arith.constant 0 : i32
    return %arg0, %c0_i32 : i32, i32
  }
  func.func @transform_1(%arg0: i32) -> (i32, i32) {
    %c0_i32 = arith.constant 0 : i32
    %c0_i32_0 = arith.constant 0 : i32
    %c0_i32_1 = arith.constant 0 : i32
    return %c0_i32, %c0_i32_0 : i32, i32
  }
  func.func @transform_2(%arg0: i32) -> (i32, i32) {
    %c0_i32 = arith.constant 0 : i32
    %c0_i32_0 = arith.constant 0 : i32
    %c0_i32_1 = arith.constant 0 : i32
    return %c0_i32, %c0_i32_0 : i32, i32
  }
  func.func @transform_3(%arg0: i32) -> (i32, i32) {
    %c0_i32 = arith.constant 0 : i32
    %c0_i32_0 = arith.constant 0 : i32
    return %arg0, %c0_i32 : i32, i32
  }
  func.func @transform_4(%arg0: i32) -> (i32, i32) {
    %c0_i32 = arith.constant 0 : i32
    %c0_i32_0 = arith.constant 0 : i32
    return %arg0, %c0_i32 : i32, i32
  }
}

module attributes {stable_mosaic.version = 14 : i64} {
  func.func @_edge_body(%arg0: i32, %arg1: memref<2560x128xf32, #tpu.memory_space<vmem>>, %arg2: memref<2560x128xf32, #tpu.memory_space<vmem>>, %arg3: memref<2560x16xf32, #tpu.memory_space<vmem>>, %arg4: memref<2560x16xf32, #tpu.memory_space<vmem>>, %arg5: memref<16x2560xf32, #tpu.memory_space<vmem>>, %arg6: memref<16x128xf32, #tpu.memory_space<vmem>>, %arg7: memref<1x128xf32, #tpu.memory_space<vmem>>, %arg8: memref<1x128xf32, #tpu.memory_space<vmem>>, %arg9: memref<128x128xf32, #tpu.memory_space<vmem>>, %arg10: memref<1x128xf32, #tpu.memory_space<vmem>>, %arg11: memref<128x128xf32, #tpu.memory_space<vmem>>, %arg12: memref<1x128xf32, #tpu.memory_space<vmem>>, %arg13: memref<1x128xf32, #tpu.memory_space<vmem>>, %arg14: memref<1x1xf32, #tpu.memory_space<vmem>>, %arg15: memref<2560x128xf32, #tpu.memory_space<vmem>>, %arg16: memref<2560x16xf32, #tpu.memory_space<vmem>>) attributes {dimension_semantics = [#tpu.dimension_semantics<arbitrary>], iteration_bounds = array<i64: 125>, scalar_prefetch = 0 : i64, scratch_operands = 0 : i64, tpu.core_type = #tpu.core_type<tc>, window_params = [{transform_indices = @transform_0, window_bounds = array<i64: 2560, 128>}, {transform_indices = @transform_1, window_bounds = array<i64: 2560, 128>}, {transform_indices = @transform_2, window_bounds = array<i64: 2560, 16>}, {transform_indices = @transform_3, window_bounds = array<i64: 2560, 16>}, {transform_indices = @transform_4, window_bounds = array<i64: 16, 2560>}, {pipeline_mode = #tpu.pipeline_mode<synchronous>, transform_indices = @transform_5, window_bounds = array<i64: 16, 128>}, {pipeline_mode = #tpu.pipeline_mode<synchronous>, transform_indices = @transform_6, window_bounds = array<i64: 1, 128>}, {pipeline_mode = #tpu.pipeline_mode<synchronous>, transform_indices = @transform_7, window_bounds = array<i64: 1, 128>}, {pipeline_mode = #tpu.pipeline_mode<synchronous>, transform_indices = @transform_8, window_bounds = array<i64: 128, 128>}, {pipeline_mode = #tpu.pipeline_mode<synchronous>, transform_indices = @transform_9, window_bounds = array<i64: 1, 128>}, {pipeline_mode = #tpu.pipeline_mode<synchronous>, transform_indices = @transform_10, window_bounds = array<i64: 128, 128>}, {pipeline_mode = #tpu.pipeline_mode<synchronous>, transform_indices = @transform_11, window_bounds = array<i64: 1, 128>}, {pipeline_mode = #tpu.pipeline_mode<synchronous>, transform_indices = @transform_12, window_bounds = array<i64: 1, 128>}, {pipeline_mode = #tpu.pipeline_mode<synchronous>, transform_indices = @transform_13, window_bounds = array<i64: 1, 1>}, {transform_indices = @transform_14, window_bounds = array<i64: 2560, 128>}, {transform_indices = @transform_15, window_bounds = array<i64: 2560, 16>}]} {
    %get3A = arith.constant 0 : index
    %get3A_0 = arith.constant 0 : index
    %get3A_1 = vector.load %arg3[%get3A, %get3A_0] : memref<2560x16xf32, #tpu.memory_space<vmem>>, vector<2560x16xf32>
    %get3A_2 = arith.constant 0 : index
    %get3A_3 = arith.constant 0 : index
    %get3A_4 = vector.load %arg4[%get3A_2, %get3A_3] : memref<2560x16xf32, #tpu.memory_space<vmem>>, vector<2560x16xf32>
    %sub3A = arith.subf %get3A_1, %get3A_4 : vector<2560x16xf32>
    %mul3A = arith.mulf %sub3A, %sub3A : vector<2560x16xf32>
    %reduce_sum3A = arith.constant dense<0.000000e+00> : vector<2560xf32>
    %reduce_sum3A_5 = vector.multi_reduction <add>, %mul3A, %reduce_sum3A [1] : vector<2560x16xf32> to vector<2560xf32>
    %broadcast_in_dim3A = vector.shape_cast %reduce_sum3A_5 : vector<2560xf32> to vector<2560x1xf32>
    %get3A_6 = arith.constant 0 : index
    %get3A_7 = arith.constant 0 : index
    %get3A_8 = vector.load %arg1[%get3A_6, %get3A_7] : memref<2560x128xf32, #tpu.memory_space<vmem>>, vector<2560x128xf32>
    %get3A_9 = arith.constant 0 : index
    %get3A_10 = arith.constant 0 : index
    %get3A_11 = vector.load %arg2[%get3A_9, %get3A_10] : memref<2560x128xf32, #tpu.memory_space<vmem>>, vector<2560x128xf32>
    %add3A = arith.addf %get3A_8, %get3A_11 : vector<2560x128xf32>
    %get3A_12 = arith.constant 0 : index
    %get3A_13 = arith.constant 0 : index
    %get3A_14 = vector.load %arg7[%get3A_12, %get3A_13] : memref<1x128xf32, #tpu.memory_space<vmem>>, vector<1x128xf32>
    %mul3A_15 = vector.broadcast %broadcast_in_dim3A : vector<2560x1xf32> to vector<2560x128xf32>
    %mul3A_16 = vector.broadcast %get3A_14 : vector<1x128xf32> to vector<2560x128xf32>
    %mul3A_17 = arith.mulf %mul3A_15, %mul3A_16 : vector<2560x128xf32>
    %add3A_18 = arith.addf %add3A, %mul3A_17 : vector<2560x128xf32>
    %get3A_19 = arith.constant 0 : index
    %get3A_20 = arith.constant 0 : index
    %get3A_21 = vector.load %arg5[%get3A_19, %get3A_20] : memref<16x2560xf32, #tpu.memory_space<vmem>>, vector<16x2560xf32>
    %get3A_22 = arith.constant 0 : index
    %get3A_23 = arith.constant 0 : index
    %get3A_24 = vector.load %arg6[%get3A_22, %get3A_23] : memref<16x128xf32, #tpu.memory_space<vmem>>, vector<16x128xf32>
    %dot_general3A = arith.constant dense<0.000000e+00> : vector<2560x128xf32>
    %dot_general3A_25 = tpu.matmul %get3A_21, %get3A_24, %dot_general3A {dimension_numbers = #tpu.dot_dimension_numbers<[0], [0], [1], [1], [0, 1, 1, 1], [], []>, transpose_lhs_hint = false} : vector<16x2560xf32>, vector<16x128xf32>, vector<2560x128xf32> -> vector<2560x128xf32>
    %add3A_26 = arith.addf %add3A_18, %dot_general3A_25 : vector<2560x128xf32>
    %get3A_27 = arith.constant 0 : index
    %get3A_28 = arith.constant 0 : index
    %get3A_29 = vector.load %arg8[%get3A_27, %get3A_28] : memref<1x128xf32, #tpu.memory_space<vmem>>, vector<1x128xf32>
    %add3A_30 = vector.broadcast %get3A_29 : vector<1x128xf32> to vector<2560x128xf32>
    %add3A_31 = arith.addf %add3A_26, %add3A_30 : vector<2560x128xf32>
    %logistic3A = arith.negf %add3A_31 : vector<2560x128xf32>
    %logistic3A_32 = math.exp %logistic3A : vector<2560x128xf32>
    %logistic3A_33 = arith.constant 1.000000e+00 : f32
    %logistic3A_34 = vector.broadcast %logistic3A_33 : f32 to vector<2560x128xf32>
    %logistic3A_35 = arith.addf %logistic3A_34, %logistic3A_32 : vector<2560x128xf32>
    %logistic3A_36 = arith.divf %logistic3A_34, %logistic3A_35 : vector<2560x128xf32>
    %mul3A_37 = arith.mulf %add3A_31, %logistic3A_36 : vector<2560x128xf32>
    %get3A_38 = arith.constant 0 : index
    %get3A_39 = arith.constant 0 : index
    %get3A_40 = vector.load %arg9[%get3A_38, %get3A_39] : memref<128x128xf32, #tpu.memory_space<vmem>>, vector<128x128xf32>
    %dot_general3A_41 = arith.constant dense<0.000000e+00> : vector<2560x128xf32>
    %dot_general3A_42 = tpu.matmul %mul3A_37, %get3A_40, %dot_general3A_41 {dimension_numbers = #tpu.dot_dimension_numbers<[1], [0], [0], [1], [0, 0, 1, 1], [], []>, transpose_lhs_hint = false} : vector<2560x128xf32>, vector<128x128xf32>, vector<2560x128xf32> -> vector<2560x128xf32>
    %get3A_43 = arith.constant 0 : index
    %get3A_44 = arith.constant 0 : index
    %get3A_45 = vector.load %arg10[%get3A_43, %get3A_44] : memref<1x128xf32, #tpu.memory_space<vmem>>, vector<1x128xf32>
    %add3A_46 = vector.broadcast %get3A_45 : vector<1x128xf32> to vector<2560x128xf32>
    %add3A_47 = arith.addf %dot_general3A_42, %add3A_46 : vector<2560x128xf32>
    %logistic3A_48 = arith.negf %add3A_47 : vector<2560x128xf32>
    %logistic3A_49 = math.exp %logistic3A_48 : vector<2560x128xf32>
    %logistic3A_50 = arith.constant 1.000000e+00 : f32
    %logistic3A_51 = vector.broadcast %logistic3A_50 : f32 to vector<2560x128xf32>
    %logistic3A_52 = arith.addf %logistic3A_51, %logistic3A_49 : vector<2560x128xf32>
    %logistic3A_53 = arith.divf %logistic3A_51, %logistic3A_52 : vector<2560x128xf32>
    %mul3A_54 = arith.mulf %add3A_47, %logistic3A_53 : vector<2560x128xf32>
    %get3A_55 = arith.constant 0 : index
    %get3A_56 = arith.constant 0 : index
    %get3A_57 = vector.load %arg11[%get3A_55, %get3A_56] : memref<128x128xf32, #tpu.memory_space<vmem>>, vector<128x128xf32>
    %dot_general3A_58 = arith.constant dense<0.000000e+00> : vector<2560x128xf32>
    %dot_general3A_59 = tpu.matmul %mul3A_54, %get3A_57, %dot_general3A_58 {dimension_numbers = #tpu.dot_dimension_numbers<[1], [0], [0], [1], [0, 0, 1, 1], [], []>, transpose_lhs_hint = false} : vector<2560x128xf32>, vector<128x128xf32>, vector<2560x128xf32> -> vector<2560x128xf32>
    %get3A_60 = arith.constant 0 : index
    %get3A_61 = arith.constant 0 : index
    %get3A_62 = vector.load %arg12[%get3A_60, %get3A_61] : memref<1x128xf32, #tpu.memory_space<vmem>>, vector<1x128xf32>
    %add3A_63 = vector.broadcast %get3A_62 : vector<1x128xf32> to vector<2560x128xf32>
    %add3A_64 = arith.addf %dot_general3A_59, %add3A_63 : vector<2560x128xf32>
    %logistic3A_65 = arith.negf %add3A_64 : vector<2560x128xf32>
    %logistic3A_66 = math.exp %logistic3A_65 : vector<2560x128xf32>
    %logistic3A_67 = arith.constant 1.000000e+00 : f32
    %logistic3A_68 = vector.broadcast %logistic3A_67 : f32 to vector<2560x128xf32>
    %logistic3A_69 = arith.addf %logistic3A_68, %logistic3A_66 : vector<2560x128xf32>
    %logistic3A_70 = arith.divf %logistic3A_68, %logistic3A_69 : vector<2560x128xf32>
    %mul3A_71 = arith.mulf %add3A_64, %logistic3A_70 : vector<2560x128xf32>
    %get3A_72 = arith.constant 0 : index
    %get3A_73 = arith.constant 0 : index
    %get3A_74 = vector.load %arg13[%get3A_72, %get3A_73] : memref<1x128xf32, #tpu.memory_space<vmem>>, vector<1x128xf32>
    %mul3A_75 = vector.broadcast %get3A_74 : vector<1x128xf32> to vector<2560x128xf32>
    %mul3A_76 = arith.mulf %mul3A_71, %mul3A_75 : vector<2560x128xf32>
    %reduce_sum3A_77 = arith.constant dense<0.000000e+00> : vector<2560xf32>
    %reduce_sum3A_78 = vector.multi_reduction <add>, %mul3A_76, %reduce_sum3A_77 [1] : vector<2560x128xf32> to vector<2560xf32>
    %broadcast_in_dim3A_79 = vector.shape_cast %reduce_sum3A_78 : vector<2560xf32> to vector<2560x1xf32>
    %get3A_80 = arith.constant 0 : index
    %get3A_81 = arith.constant 0 : index
    %get3A_82 = vector.load %arg14[%get3A_80, %get3A_81] : memref<1x1xf32, #tpu.memory_space<vmem>>, vector<1x1xf32>
    %add3A_83 = vector.broadcast %get3A_82 : vector<1x1xf32> to vector<2560x1xf32>
    %add3A_84 = arith.addf %broadcast_in_dim3A_79, %add3A_83 : vector<2560x1xf32>
    %iota3A = tpu.iota {dimensions = array<i32: 1>} : vector<2560x16xi32>
    %swap3A = arith.constant 0 : index
    %swap3A_85 = arith.constant 0 : index
    %swap3A_86 = vector.load %arg15[%swap3A, %swap3A_85] : memref<2560x128xf32, #tpu.memory_space<vmem>>, vector<2560x128xf32>
    tpu.vector_store %arg15[%swap3A, %swap3A_85], %mul3A_54 {strides = array<i32>} : memref<2560x128xf32, #tpu.memory_space<vmem>>, vector<2560x128xf32>,
    %mul3A_87 = vector.broadcast %add3A_84 : vector<2560x1xf32> to vector<2560x16xf32>
    %mul3A_88 = arith.mulf %sub3A, %mul3A_87 : vector<2560x16xf32>
    %eq3A = arith.constant 3 : i32
    %eq3A_89 = vector.broadcast %eq3A : i32 to vector<2560x16xi32>
    %eq3A_90 = arith.cmpi eq, %iota3A, %eq3A_89 : vector<2560x16xi32>
    %convert_element_type3A = arith.extui %eq3A_90 : vector<2560x16xi1> to vector<2560x16xi32>
    %convert_element_type3A_91 = arith.sitofp %convert_element_type3A : vector<2560x16xi32> to vector<2560x16xf32>
    %add3A_92 = arith.addf %mul3A_88, %convert_element_type3A_91 : vector<2560x16xf32>
    %swap3A_93 = arith.constant 0 : index
    %swap3A_94 = arith.constant 0 : index
    %swap3A_95 = vector.load %arg16[%swap3A_93, %swap3A_94] : memref<2560x16xf32, #tpu.memory_space<vmem>>, vector<2560x16xf32>
    tpu.vector_store %arg16[%swap3A_93, %swap3A_94], %add3A_92 {strides = array<i32>} : memref<2560x16xf32, #tpu.memory_space<vmem>>, vector<2560x16xf32>,
    return
  }
  func.func @transform_0(%arg0: i32) -> (i32, i32) {
    %c0_i32 = arith.constant 0 : i32
    %c0_i32_0 = arith.constant 0 : i32
    return %arg0, %c0_i32 : i32, i32
  }
  func.func @transform_1(%arg0: i32) -> (i32, i32) {
    %c0_i32 = arith.constant 0 : i32
    %c0_i32_0 = arith.constant 0 : i32
    return %arg0, %c0_i32 : i32, i32
  }
  func.func @transform_2(%arg0: i32) -> (i32, i32) {
    %c0_i32 = arith.constant 0 : i32
    %c0_i32_0 = arith.constant 0 : i32
    return %arg0, %c0_i32 : i32, i32
  }
  func.func @transform_3(%arg0: i32) -> (i32, i32) {
    %c0_i32 = arith.constant 0 : i32
    %c0_i32_0 = arith.constant 0 : i32
    return %arg0, %c0_i32 : i32, i32
  }
  func.func @transform_4(%arg0: i32) -> (i32, i32) {
    %c0_i32 = arith.constant 0 : i32
    %c0_i32_0 = arith.constant 0 : i32
    return %c0_i32, %arg0 : i32, i32
  }
  func.func @transform_5(%arg0: i32) -> (i32, i32) {
    %c0_i32 = arith.constant 0 : i32
    %c0_i32_0 = arith.constant 0 : i32
    %c0_i32_1 = arith.constant 0 : i32
    return %c0_i32, %c0_i32_0 : i32, i32
  }
  func.func @transform_6(%arg0: i32) -> (i32, i32) {
    %c0_i32 = arith.constant 0 : i32
    %c0_i32_0 = arith.constant 0 : i32
    %c0_i32_1 = arith.constant 0 : i32
    return %c0_i32, %c0_i32_0 : i32, i32
  }
  func.func @transform_7(%arg0: i32) -> (i32, i32) {
    %c0_i32 = arith.constant 0 : i32
    %c0_i32_0 = arith.constant 0 : i32
    %c0_i32_1 = arith.constant 0 : i32
    return %c0_i32, %c0_i32_0 : i32, i32
  }
  func.func @transform_8(%arg0: i32) -> (i32, i32) {
    %c0_i32 = arith.constant 0 : i32
    %c0_i32_0 = arith.constant 0 : i32
    %c0_i32_1 = arith.constant 0 : i32
    return %c0_i32, %c0_i32_0 : i32, i32
  }
  func.func @transform_9(%arg0: i32) -> (i32, i32) {
    %c0_i32 = arith.constant 0 : i32
    %c0_i32_0 = arith.constant 0 : i32
    %c0_i32_1 = arith.constant 0 : i32
    return %c0_i32, %c0_i32_0 : i32, i32
  }
  func.func @transform_10(%arg0: i32) -> (i32, i32) {
    %c0_i32 = arith.constant 0 : i32
    %c0_i32_0 = arith.constant 0 : i32
    %c0_i32_1 = arith.constant 0 : i32
    return %c0_i32, %c0_i32_0 : i32, i32
  }
  func.func @transform_11(%arg0: i32) -> (i32, i32) {
    %c0_i32 = arith.constant 0 : i32
    %c0_i32_0 = arith.constant 0 : i32
    %c0_i32_1 = arith.constant 0 : i32
    return %c0_i32, %c0_i32_0 : i32, i32
  }
  func.func @transform_12(%arg0: i32) -> (i32, i32) {
    %c0_i32 = arith.constant 0 : i32
    %c0_i32_0 = arith.constant 0 : i32
    %c0_i32_1 = arith.constant 0 : i32
    return %c0_i32, %c0_i32_0 : i32, i32
  }
  func.func @transform_13(%arg0: i32) -> (i32, i32) {
    %c0_i32 = arith.constant 0 : i32
    %c0_i32_0 = arith.constant 0 : i32
    %c0_i32_1 = arith.constant 0 : i32
    return %c0_i32, %c0_i32_0 : i32, i32
  }
  func.func @transform_14(%arg0: i32) -> (i32, i32) {
    %c0_i32 = arith.constant 0 : i32
    %c0_i32_0 = arith.constant 0 : i32
    return %arg0, %c0_i32 : i32, i32
  }
  func.func @transform_15(%arg0: i32) -> (i32, i32) {
    %c0_i32 = arith.constant 0 : i32
    %c0_i32_0 = arith.constant 0 : i32
    return %arg0, %c0_i32 : i32, i32
  }
}

module attributes {stable_mosaic.version = 14 : i64} {
  func.func @_node_body(%arg0: i32, %arg1: memref<2000x128xf32, #tpu.memory_space<vmem>>, %arg2: memref<2000x128xf32, #tpu.memory_space<vmem>>, %arg3: memref<2000x128xf32, #tpu.memory_space<vmem>>, %arg4: memref<2000x16xf32, #tpu.memory_space<vmem>>, %arg5: memref<2000x16xf32, #tpu.memory_space<vmem>>, %arg6: memref<2000x16xf32, #tpu.memory_space<vmem>>, %arg7: memref<128x128xf32, #tpu.memory_space<vmem>>, %arg8: memref<128x128xf32, #tpu.memory_space<vmem>>, %arg9: memref<1x128xf32, #tpu.memory_space<vmem>>, %arg10: memref<128x128xf32, #tpu.memory_space<vmem>>, %arg11: memref<1x128xf32, #tpu.memory_space<vmem>>, %arg12: memref<2000x128xf32, #tpu.memory_space<vmem>>, %arg13: memref<2000x16xf32, #tpu.memory_space<vmem>>) attributes {dimension_semantics = [#tpu.dimension_semantics<arbitrary>], iteration_bounds = array<i64: 5>, scalar_prefetch = 0 : i64, scratch_operands = 0 : i64, tpu.core_type = #tpu.core_type<tc>, window_params = [{transform_indices = @transform_0, window_bounds = array<i64: 2000, 128>}, {transform_indices = @transform_1, window_bounds = array<i64: 2000, 128>}, {transform_indices = @transform_2, window_bounds = array<i64: 2000, 128>}, {transform_indices = @transform_3, window_bounds = array<i64: 2000, 16>}, {transform_indices = @transform_4, window_bounds = array<i64: 2000, 16>}, {transform_indices = @transform_5, window_bounds = array<i64: 2000, 16>}, {pipeline_mode = #tpu.pipeline_mode<synchronous>, transform_indices = @transform_6, window_bounds = array<i64: 128, 128>}, {pipeline_mode = #tpu.pipeline_mode<synchronous>, transform_indices = @transform_7, window_bounds = array<i64: 128, 128>}, {pipeline_mode = #tpu.pipeline_mode<synchronous>, transform_indices = @transform_8, window_bounds = array<i64: 1, 128>}, {pipeline_mode = #tpu.pipeline_mode<synchronous>, transform_indices = @transform_9, window_bounds = array<i64: 128, 128>}, {pipeline_mode = #tpu.pipeline_mode<synchronous>, transform_indices = @transform_10, window_bounds = array<i64: 1, 128>}, {transform_indices = @transform_11, window_bounds = array<i64: 2000, 128>}, {transform_indices = @transform_12, window_bounds = array<i64: 2000, 16>}]} {
    %get3A = arith.constant 0 : index
    %get3A_0 = arith.constant 0 : index
    %get3A_1 = vector.load %arg2[%get3A, %get3A_0] : memref<2000x128xf32, #tpu.memory_space<vmem>>, vector<2000x128xf32>
    %get3A_2 = arith.constant 0 : index
    %get3A_3 = arith.constant 0 : index
    %get3A_4 = vector.load %arg3[%get3A_2, %get3A_3] : memref<2000x128xf32, #tpu.memory_space<vmem>>, vector<2000x128xf32>
    %add3A = arith.addf %get3A_1, %get3A_4 : vector<2000x128xf32>
    %get3A_5 = arith.constant 0 : index
    %get3A_6 = arith.constant 0 : index
    %get3A_7 = vector.load %arg4[%get3A_5, %get3A_6] : memref<2000x16xf32, #tpu.memory_space<vmem>>, vector<2000x16xf32>
    %get3A_8 = arith.constant 0 : index
    %get3A_9 = arith.constant 0 : index
    %get3A_10 = vector.load %arg5[%get3A_8, %get3A_9] : memref<2000x16xf32, #tpu.memory_space<vmem>>, vector<2000x16xf32>
    %add3A_11 = arith.addf %get3A_7, %get3A_10 : vector<2000x16xf32>
    %slice3A = vector.extract_strided_slice %add3A_11 {offsets = [0, 3], sizes = [2000, 1], strides = [1, 1]} : vector<2000x16xf32> to vector<2000x1xf32>
    %jit3A = arith.constant 1.000000e+00 : f32
    %max3A = vector.broadcast %jit3A : f32 to vector<2000x1xf32>
    %max3A_12 = arith.maximumf %max3A, %slice3A : vector<2000x1xf32>
    %iota3A = tpu.iota {dimensions = array<i32: 1>} : vector<2000x16xi32>
    %get3A_13 = arith.constant 0 : index
    %get3A_14 = arith.constant 0 : index
    %get3A_15 = vector.load %arg6[%get3A_13, %get3A_14] : memref<2000x16xf32, #tpu.memory_space<vmem>>, vector<2000x16xf32>
    %lt3A = arith.constant 3 : i32
    %lt3A_16 = vector.broadcast %lt3A : i32 to vector<2000x16xi32>
    %lt3A_17 = arith.cmpi slt, %iota3A, %lt3A_16 : vector<2000x16xi32>
    %div3A = vector.broadcast %max3A_12 : vector<2000x1xf32> to vector<2000x16xf32>
    %div3A_18 = arith.divf %add3A_11, %div3A : vector<2000x16xf32>
    %jit3A_19 = arith.constant 0.000000e+00 : f32
    %broadcast_in_dim3A = vector.broadcast %jit3A_19 : f32 to vector<2000x16xf32>
    %select_n3A = arith.select %lt3A_17, %div3A_18, %broadcast_in_dim3A : vector<2000x16xi1>, vector<2000x16xf32>
    %add3A_20 = arith.addf %get3A_15, %select_n3A : vector<2000x16xf32>
    %swap3A = arith.constant 0 : index
    %swap3A_21 = arith.constant 0 : index
    %swap3A_22 = vector.load %arg13[%swap3A, %swap3A_21] : memref<2000x16xf32, #tpu.memory_space<vmem>>, vector<2000x16xf32>
    tpu.vector_store %arg13[%swap3A, %swap3A_21], %add3A_20 {strides = array<i32>} : memref<2000x16xf32, #tpu.memory_space<vmem>>, vector<2000x16xf32>,
    %get3A_23 = arith.constant 0 : index
    %get3A_24 = arith.constant 0 : index
    %get3A_25 = vector.load %arg1[%get3A_23, %get3A_24] : memref<2000x128xf32, #tpu.memory_space<vmem>>, vector<2000x128xf32>
    %get3A_26 = arith.constant 0 : index
    %get3A_27 = arith.constant 0 : index
    %get3A_28 = vector.load %arg7[%get3A_26, %get3A_27] : memref<128x128xf32, #tpu.memory_space<vmem>>, vector<128x128xf32>
    %dot_general3A = arith.constant dense<0.000000e+00> : vector<2000x128xf32>
    %dot_general3A_29 = tpu.matmul %get3A_25, %get3A_28, %dot_general3A {dimension_numbers = #tpu.dot_dimension_numbers<[1], [0], [0], [1], [0, 0, 1, 1], [], []>, transpose_lhs_hint = false} : vector<2000x128xf32>, vector<128x128xf32>, vector<2000x128xf32> -> vector<2000x128xf32>
    %get3A_30 = arith.constant 0 : index
    %get3A_31 = arith.constant 0 : index
    %get3A_32 = vector.load %arg8[%get3A_30, %get3A_31] : memref<128x128xf32, #tpu.memory_space<vmem>>, vector<128x128xf32>
    %dot_general3A_33 = arith.constant dense<0.000000e+00> : vector<2000x128xf32>
    %dot_general3A_34 = tpu.matmul %add3A, %get3A_32, %dot_general3A_33 {dimension_numbers = #tpu.dot_dimension_numbers<[1], [0], [0], [1], [0, 0, 1, 1], [], []>, transpose_lhs_hint = false} : vector<2000x128xf32>, vector<128x128xf32>, vector<2000x128xf32> -> vector<2000x128xf32>
    %add3A_35 = arith.addf %dot_general3A_29, %dot_general3A_34 : vector<2000x128xf32>
    %get3A_36 = arith.constant 0 : index
    %get3A_37 = arith.constant 0 : index
    %get3A_38 = vector.load %arg9[%get3A_36, %get3A_37] : memref<1x128xf32, #tpu.memory_space<vmem>>, vector<1x128xf32>
    %add3A_39 = vector.broadcast %get3A_38 : vector<1x128xf32> to vector<2000x128xf32>
    %add3A_40 = arith.addf %add3A_35, %add3A_39 : vector<2000x128xf32>
    %logistic3A = arith.negf %add3A_40 : vector<2000x128xf32>
    %logistic3A_41 = math.exp %logistic3A : vector<2000x128xf32>
    %logistic3A_42 = arith.constant 1.000000e+00 : f32
    %logistic3A_43 = vector.broadcast %logistic3A_42 : f32 to vector<2000x128xf32>
    %logistic3A_44 = arith.addf %logistic3A_43, %logistic3A_41 : vector<2000x128xf32>
    %logistic3A_45 = arith.divf %logistic3A_43, %logistic3A_44 : vector<2000x128xf32>
    %mul3A = arith.mulf %add3A_40, %logistic3A_45 : vector<2000x128xf32>
    %get3A_46 = arith.constant 0 : index
    %get3A_47 = arith.constant 0 : index
    %get3A_48 = vector.load %arg10[%get3A_46, %get3A_47] : memref<128x128xf32, #tpu.memory_space<vmem>>, vector<128x128xf32>
    %dot_general3A_49 = arith.constant dense<0.000000e+00> : vector<2000x128xf32>
    %dot_general3A_50 = tpu.matmul %mul3A, %get3A_48, %dot_general3A_49 {dimension_numbers = #tpu.dot_dimension_numbers<[1], [0], [0], [1], [0, 0, 1, 1], [], []>, transpose_lhs_hint = false} : vector<2000x128xf32>, vector<128x128xf32>, vector<2000x128xf32> -> vector<2000x128xf32>
    %get3A_51 = arith.constant 0 : index
    %get3A_52 = arith.constant 0 : index
    %get3A_53 = vector.load %arg11[%get3A_51, %get3A_52] : memref<1x128xf32, #tpu.memory_space<vmem>>, vector<1x128xf32>
    %add3A_54 = vector.broadcast %get3A_53 : vector<1x128xf32> to vector<2000x128xf32>
    %add3A_55 = arith.addf %dot_general3A_50, %add3A_54 : vector<2000x128xf32>
    %swap3A_56 = arith.constant 0 : index
    %swap3A_57 = arith.constant 0 : index
    %swap3A_58 = vector.load %arg12[%swap3A_56, %swap3A_57] : memref<2000x128xf32, #tpu.memory_space<vmem>>, vector<2000x128xf32>
    tpu.vector_store %arg12[%swap3A_56, %swap3A_57], %add3A_55 {strides = array<i32>} : memref<2000x128xf32, #tpu.memory_space<vmem>>, vector<2000x128xf32>,
    return
  }
  func.func @transform_0(%arg0: i32) -> (i32, i32) {
    %c0_i32 = arith.constant 0 : i32
    %c0_i32_0 = arith.constant 0 : i32
    return %arg0, %c0_i32 : i32, i32
  }
  func.func @transform_1(%arg0: i32) -> (i32, i32) {
    %c0_i32 = arith.constant 0 : i32
    %c0_i32_0 = arith.constant 0 : i32
    return %arg0, %c0_i32 : i32, i32
  }
  func.func @transform_2(%arg0: i32) -> (i32, i32) {
    %c0_i32 = arith.constant 0 : i32
    %c0_i32_0 = arith.constant 0 : i32
    return %arg0, %c0_i32 : i32, i32
  }
  func.func @transform_3(%arg0: i32) -> (i32, i32) {
    %c0_i32 = arith.constant 0 : i32
    %c0_i32_0 = arith.constant 0 : i32
    return %arg0, %c0_i32 : i32, i32
  }
  func.func @transform_4(%arg0: i32) -> (i32, i32) {
    %c0_i32 = arith.constant 0 : i32
    %c0_i32_0 = arith.constant 0 : i32
    return %arg0, %c0_i32 : i32, i32
  }
  func.func @transform_5(%arg0: i32) -> (i32, i32) {
    %c0_i32 = arith.constant 0 : i32
    %c0_i32_0 = arith.constant 0 : i32
    return %arg0, %c0_i32 : i32, i32
  }
  func.func @transform_6(%arg0: i32) -> (i32, i32) {
    %c0_i32 = arith.constant 0 : i32
    %c0_i32_0 = arith.constant 0 : i32
    %c0_i32_1 = arith.constant 0 : i32
    return %c0_i32, %c0_i32_0 : i32, i32
  }
  func.func @transform_7(%arg0: i32) -> (i32, i32) {
    %c0_i32 = arith.constant 0 : i32
    %c0_i32_0 = arith.constant 0 : i32
    %c0_i32_1 = arith.constant 0 : i32
    return %c0_i32, %c0_i32_0 : i32, i32
  }
  func.func @transform_8(%arg0: i32) -> (i32, i32) {
    %c0_i32 = arith.constant 0 : i32
    %c0_i32_0 = arith.constant 0 : i32
    %c0_i32_1 = arith.constant 0 : i32
    return %c0_i32, %c0_i32_0 : i32, i32
  }
  func.func @transform_9(%arg0: i32) -> (i32, i32) {
    %c0_i32 = arith.constant 0 : i32
    %c0_i32_0 = arith.constant 0 : i32
    %c0_i32_1 = arith.constant 0 : i32
    return %c0_i32, %c0_i32_0 : i32, i32
  }
  func.func @transform_10(%arg0: i32) -> (i32, i32) {
    %c0_i32 = arith.constant 0 : i32
    %c0_i32_0 = arith.constant 0 : i32
    %c0_i32_1 = arith.constant 0 : i32
    return %c0_i32, %c0_i32_0 : i32, i32
  }
  func.func @transform_11(%arg0: i32) -> (i32, i32) {
    %c0_i32 = arith.constant 0 : i32
    %c0_i32_0 = arith.constant 0 : i32
    return %arg0, %c0_i32 : i32, i32
  }
  func.func @transform_12(%arg0: i32) -> (i32, i32) {
    %c0_i32 = arith.constant 0 : i32
    %c0_i32_0 = arith.constant 0 : i32
    return %arg0, %c0_i32 : i32, i32
  }
}

</mosaic_0001>

<sc_bundles>
// kernel: kernel.10.cloned.1.call-start
scs
__scs_entry_jumppad:
0x0: {  	(pc) =	sbr.rel $0x88, $3  }
0x1: {  	(tag) =	ssettag $0x0;
	lr =	simm.s32 $0x1  }
0x2: {  	[smem:$0x3F91] =	sst lr;
	_ =	strace $0xD0000000  }
0x3: {  	_ = 	snop  }
0x4: {  	_ = 	snop  }
0x5: {  	_ = 	snop  }
0x6: {  	_ = 	snop  }
0x7: {  	_ = 	snop  }
__scs_overlays_trampoline_lowered:
0x8: {  	[smem:$0x3FA0] =	sst s0  }
0x9: {  	[smem:$0x3FA1] =	sst s1  }
0xa: {  	[smem:$0x3FA2] =	sst s2  }
0xb: {  	[smem:$0x3FA3] =	sst s3  }
0xc: {  	[smem:$0x3FA4] =	sst s4  }
0xd: {  	[smem:$0x3FA5] =	sst s5  }
0xe: {  	[smem:$0x3FA6] =	sst s6  }
0xf: {  	[smem:$0x3FA7] =	sst s7  }
0x10: {  	[smem:$0x3FA8] =	sst s8  }
0x11: {  	[smem:$0x3FA9] =	sst s9;
	s0 =	simm.s32 @!p0 $0x0  }
0x12: {  	s1 =	sld [smem:$0x3F8F];
	s0 =	simm.s32 @p0 $0x1  }
0x13: {  	[smem:$0x3FAA] =	sst s0;
	s0 =	simm.s32 @!p1 $0x0  }
0x14: {  	s2 =	sld [smem:$0x3F8E];
	s0 =	simm.s32 @p1 $0x1  }
0x15: {  	[smem:$0x3FAB] =	sst s0;
	s0 =	simm.s32 @!p2 $0x0  }
0x16: {  	s3 =	sld [smem:$0x3FDB];
	s0 =	simm.s32 @p2 $0x1  }
0x17: {  	s4 =	simm.s32 $0x1BF5;
	[smem:$0x3FAD] =	sst s0  }
0x18: {  	s0 =	sld [smem:$0x3F90];
	_ =	swait.ge [sflag:s4], $0x0  }
0x19: {  	s7 =	sld [smem:$0x3F91]  }
0x1a: {  	s8 =	sadd.s32 $0xFFFFE003, lr  }
0x1b: {  	s9 =	sadd.s32 $0xFFFFFEF7, lr;
	s5 =	simm.s32 $0xFFFFFFFF;
	p2 =	slt.u32 s8, $0xFFFFF086  }
0x1c: {  	p1 =	slt.u32 s9, $0xF7A;
	s5 =	simm.s32 @!p2 $0x0  }
0x1d: {  	s5 =	simm.s32 @p1 $0x1;
	p0 =	seq.s32 s7, s2  }
0x1e: {  	s7 =	smul.u32 @!p0 $0xF7A, s2;
	p2 =	seq.s32 @!p0 s5, $0x0  }
0x1f: {  	s9 =	smul.u32 $0xF7A, s1;
	s8 =	simm.s32 @!p0 $0x1BF5;
	p2 =	por !p2, p0  }
0x20: {  	[sflag:s8] =	ssyncset.s32 @!p0 $0xFFFFF086;
	s6 =	sadd.s32 @!p0 s3, s7;
	s7 =	simm.s32 @!p0 $0x108  }
0x21: {  	s3 =	sadd.s32 s3, s9;
	s6 =	sadd.s32 @!p0 $0x88, s6;
	s7 =	simm.s32 @p2 $0x1082  }
0x22: {  	[simem:s7], [sflag:s8] =	dma.local @!p0 [hbm:s6], $0xF7A  }
0x23: {  	s9 =	sor.u32 $0xD0000000, s2;
	s6 =	simm.s32 $0x108;
	_ =	swait.ge @!p0 [sflag:s8], $0x0  }
0x24: {  	s3 =	sadd.s32 $0x88, s3;
	s6 =	simm.s32 @!p1 $0x1082;
	[sflag:s4] =	ssyncset.s32 $0xFFFFF086  }
0x25: {  	[simem:s6], [sflag:s4] =	dma.local [hbm:s3], $0xF7A  }
0x26: {  	[smem:$0x3F91] =	sst s1;
	(tag) =	ssettag s2;
	_ =	strace s9  }
0x27: {  	s1 =	sld [smem:$0x3FA1]  }
0x28: {  	s2 =	sld [smem:$0x3FA2]  }
0x29: {  	s4 =	sld [smem:$0x3FA4]  }
0x2a: {  	p0 =	seq.s32 s5, $0x0;
	s5 =	sld [smem:$0x3FA5]  }
0x2b: {  	s6 =	sld [smem:$0x3FA6]  }
0x2c: {  	s7 =	sld [smem:$0x3FA7]  }
0x2d: {  	s3 =	simm.s32 $0x108;
	s8 =	sld [smem:$0x3FA8]  }
0x2e: {  	s3 =	simm.s32 @!p0 $0x1082;
	s9 =	sld [smem:$0x3FA9]  }
0x2f: {  	lr =	sadd.s32 s0, s3;
	s0 =	sld [smem:$0x3FA0]  }
0x30: {  	s3 =	sld [smem:$0x3FA3]  }
0x31: {  	[smem:$0x3FAC] =	sst s10  }
0x32: {  	s10 =	sld [smem:$0x3FAA];
	_ =	sdelay $0x3  }
0x33: {  	p0 =	seq.s32 s10, $0x1;
	s10 =	sld [smem:$0x3FAC];
	_ =	sdelay $0x3  }
0x34: {  	[smem:$0x3FAC] =	sst s10  }
0x35: {  	s10 =	sld [smem:$0x3FAB];
	_ =	sdelay $0x3  }
0x36: {  	p1 =	seq.s32 s10, $0x1;
	s10 =	sld [smem:$0x3FAC];
	_ =	sdelay $0x3  }
0x37: {  	[smem:$0x3FAC] =	sst s10  }
0x38: {  	s10 =	sld [smem:$0x3FAD]  }
0x39: {  	_ = 	snop;
	(pc) =	sbr.ind lr, $3  }
0x3a: {  	_ = 	snop  }
0x3b: {  	_ = 	snop  }
0x3c: {  	p2 =	seq.s32 s10, $0x1;
	s10 =	sld [smem:$0x3FAC]  }
0x3d: {  	_ =	shalt  }
0x3e: {  	_ =	shalt  }
0x3f: {  	_ =	shalt  }
0x40: {  	_ =	shalt  }
0x41: {  	_ =	shalt  }
0x42: {  	_ =	shalt  }
0x43: {  	_ =	shalt  }
0x44: {  	_ =	shalt  }
0x45: {  	_ =	shalt  }
0x46: {  	_ =	shalt  }
0x47: {  	_ =	shalt  }
0x48: {  	_ =	shalt  }
0x49: {  	_ =	shalt  }
0x4a: {  	_ =	shalt  }
0x4b: {  	_ =	shalt  }
0x4c: {  	_ =	shalt  }
0x4d: {  	_ =	shalt  }
0x4e: {  	_ =	shalt  }
0x4f: {  	_ =	shalt  }
0x50: {  	_ =	shalt  }
0x51: {  	_ =	shalt  }
0x52: {  	_ =	shalt  }
0x53: {  	_ =	shalt  }
0x54: {  	_ =	shalt  }
0x55: {  	_ =	shalt  }
0x56: {  	_ =	shalt  }
0x57: {  	_ =	shalt  }
0x58: {  	_ =	shalt  }
0x59: {  	_ =	shalt  }
0x5a: {  	_ =	shalt  }
0x5b: {  	_ =	shalt  }
0x5c: {  	_ =	shalt  }
0x5d: {  	_ =	shalt  }
0x5e: {  	_ =	shalt  }
0x5f: {  	_ =	shalt  }
0x60: {  	_ =	shalt  }
0x61: {  	_ =	shalt  }
0x62: {  	_ =	shalt  }
0x63: {  	_ =	shalt  }
0x64: {  	_ =	shalt  }
0x65: {  	_ =	shalt  }
0x66: {  	_ =	shalt  }
0x67: {  	_ =	shalt  }
0x68: {  	_ =	shalt  }
0x69: {  	_ =	shalt  }
0x6a: {  	_ =	shalt  }
0x6b: {  	_ =	shalt  }
0x6c: {  	_ =	shalt  }
0x6d: {  	_ =	shalt  }
0x6e: {  	_ =	shalt  }
0x6f: {  	_ =	shalt  }
0x70: {  	_ =	shalt  }
0x71: {  	_ =	shalt  }
0x72: {  	_ =	shalt  }
0x73: {  	_ =	shalt  }
0x74: {  	_ =	shalt  }
0x75: {  	_ =	shalt  }
0x76: {  	_ =	shalt  }
0x77: {  	_ =	shalt  }
0x78: {  	_ =	shalt  }
0x79: {  	_ =	shalt  }
0x7a: {  	_ =	shalt  }
0x7b: {  	_ =	shalt  }
0x7c: {  	_ =	shalt  }
0x7d: {  	_ =	shalt  }
0x7e: {  	_ =	shalt  }
0x7f: {  	_ =	shalt  }
0x80: {  	_ =	shalt  }
0x81: {  	_ =	shalt  }
0x82: {  	_ =	shalt  }
0x83: {  	_ =	shalt  }
0x84: {  	_ =	shalt  }
0x85: {  	_ =	shalt  }
0x86: {  	_ =	shalt  }
0x87: {  	_ =	shalt  }
.Lfunc_end0:
.L_simem_size_0:
called_computation.1_lowered:
.L_overlay_start_0:
0x88: {  	s2 =	sld [smem:$0x3FD9]  }
0x89: {  	s3 =	sld [smem:$0x3FFE];
	_ =	sdelay $0x1  }
0x8a: {  	s1 =	srdreg.scid  }
0x8b: {  	s0 =	sand.u32 $0x1, s1  }
0x8c: {  	s14 =	sshll.u32 s0, $0xA;
	s2 =	sadd.s32 s3, s2  }
0x8d: {  	s2 =	sadd.s32 s2, s14  }
0x8e: {  	[smem:$0x3FB8] =	sst s2  }
0x8f: {  	_ = 	snop  }
0x90: {  	s2 =	sld [smem:$0x3FD0];
	_ =	sdelay $0x2  }
0x91: {  	s15 =	simm.s32 $0xA;
	s4 =	simm.s32 $0x10  }
0x92: {  	[smem:s4], [sflag:s15] =	dma.local [hbm:s2], $0x1  }
0x93: {  	_ =	swait.eq [sflag:s15], $0x1  }
0x94: {  	[sflag:s15] =	ssyncset.done $0x0  }
0x95: {  	s16 =	sld [smem:$0x10];
	[sflag:s15] =	ssyncadd.s32 $0xFFFFFFFF  }
0x96: {  	s17 =	sld [smem:$0x12];
	(tm) =	ssettm $0x1  }
0x97: {  	s18 =	sld [smem:$0x3FFB];
	_ =	sdelay $0x3  }
0x98: {  	_ =	strace s18  }
0x99: {  	s4 =	sld [smem:$0x3FFC];
	_ =	sdelay $0x3  }
0x9a: {  	_ =	strace s4  }
0x9b: {  	s4 =	sld [smem:$0x3FFD];
	_ =	sdelay $0x3  }
0x9c: {  	_ =	strace s4  }
0x9d: {  	_ =	strace $0x8FFFFFFF  }
0x9e: {  	s19 =	sld [smem:$0x3FDB];
	_ =	sdelay $0x1  }
0x9f: {  	s5 =	simm.s32 $_scs_section_size  }
0xa0: {  	s6 =	simm.s32 $_size__tile_overlayer_lowered;
	s7 =	simm.s32 $_tile_overlayer_lowered  }
0xa1: {  	s22 =	simm.s32 $0x1BFF;
	s21 =	sshll.u32 s7, $0x1;
	s4 =	sadd.s32 s5, s19  }
0xa2: {  	s8 =	simm.s32 $0x0;
	s20 =	sshll.u32 s6, $0x1;
	s6 =	sadd.s32 s21, s4  }
0xa3: {  	[timem:s8], [sflag:s22] =	dma.local [hbm:s6], s20  }
0xa4: {  	_ =	swait.ge [sflag:s22], s20  }
0xa5: {  	s5 =	ssub.s32 $0x0, s20;
	[sflag:s22] =	ssyncset.done $0x0  }
0xa6: {  	[sflag:s22] =	ssyncadd.s32 s5;
	_ =	sdelay $0x1  }
0xa7: {  	s23 =	simm.s32 $0x1B8B  }
0xa8: {  	_ =	swait.ge [sflag:s23], $0x1  }
0xa9: {  	[sflag:s23] =	ssyncset.done $0x0  }
0xaa: {  	s25 =	simm.s32 $0x1B8E;
	s24 =	sld [smem:$0x3FFE];
	[sflag:s23] =	ssyncadd.s32 $0xFFFFFFFF  }
0xab: {  	s26 =	simm.s32 $execute0_lowered;
	[smem:$0x3FD2] =	sst s25  }
0xac: {  	s6 =	sshll.u32 s26, $0x1;
	_ =	strace $0x80000049;
	[dreg:$0x1] =	wrdreg $0xFFFFFFFF  }
0xad: {  	s28 =	simm.s32 $_size_execute0_lowered;
	s4 =	sadd.s32 s4, s6;
	[dreg:$0x0] =	wrdreg $0x0  }
0xae: {  	s6 =	sshll.u32 s28, $0x1;
	[dreg:$0x2] =	wrdreg s4  }
0xaf: {  	[dreg:$0x3] =	wrdreg s6  }
0xb0: {  	[dreg:$0x4] =	wrdreg $0xC0  }
0xb1: {  	_ =	task [dreg:s8], $0x5FFFF  }
0xb2: {  	[dreg:$0x1] =	wrdreg $0xFFFFFFFF  }
0xb3: {  	[dreg:$0x0] =	wrdreg $0x60  }
0xb4: {  	[dreg:$0x2] =	wrdreg s24  }
0xb5: {  	[dreg:$0x3] =	wrdreg s17  }
0xb6: {  	[dreg:$0x4] =	wrdreg s16  }
0xb7: {  	[dreg:$0x5] =	wrdreg $0x0  }
0xb8: {  	[dreg:$0x6] =	wrdreg $0x138800  }
0xb9: {  	[dreg:$0x7] =	wrdreg $0x9  }
0xba: {  	_ =	task.clear_ibuf [dreg:s8], $0x8FFFF;
	_ =	strace $0x90000049  }
0xbb: {  	s29 =	simm.s32 $0x9;
	_ =	strace $0x8000004B  }
0xbc: {  	_ =	swait.ge [sflag:s29], $0x1  }
0xbd: {  	[sflag:s29] =	ssyncadd.s32 $0xFFFFFFFF  }
0xbe: {  	_ =	strace $0x9000004B  }
0xbf: {  	_ =	sfence  }
0xc0: {  	s30 =	sld [smem:$0x0];
	_ =	sdelay $0x2  }
0xc1: {  	s31 =	sshll.u32 s1, $0xD;
	s1 =	sshrl.u32 s1, $0x2  }
0xc2: {  	s3 =	sand.u32 $0x4000, s31;
	s1 =	sadd.s32 s1, s30  }
0xc3: {  	s0 =	sor.u32 s3, s0;
	s1 =	sshll.u32 s1, $0x11  }
0xc4: {  	s0 =	sor.u32 s1, s0  }
0xc5: {  	s0 =	sadd.s32 $0x8F2B, s0  }
0xc6: {  	[sflag:s0] =	ssyncadd.remote.s32 $0x1  }
0xc7: {  	_ =	sfence.sel $0xFFFF  }
0xc8: {  	[dreg:$0x0] =	wrdreg $0xFFFFFFFF;
	(pc) =	sbr.abs _section_cstart, $3  }
0xc9: {  	[dreg:$0x1] =	wrdreg $0xFFFFFFFF  }
0xca: {  	_ =	task.clear_ibuf [dreg:s8], $0x2FFFF;
	_ =	strace $0x9FFFFFFF  }
0xcb: {  	(tm) =	ssettm $0x7FFFFFFF  }
tec
execute0_lowered:
.L_overlay_start_1:
0x0: {  	(tag) =	ssettag $0x1  }
0x1: {  	s0 =	rddreg [dreg:$0x0]  }
0x2: {  	s1 =	rddreg [dreg:$0x1]  }
0x3: {  	s5 =	rddreg [dreg:$0x2];
	s3 =	srdreg.scid  }
0x4: {  	s2 =	rddreg [dreg:$0x3];
	s22 =	stileid.u32;
	s4 =	simm.s32 $0x0  }
0x5: {  	s28 =	simm.s32 $0x2;
	s29 =	simm.s32 $0xC8;
	s7 =	smul.u32 $0x2710, s22  }
0x6: {  	s6 =	sand.u32 $0x1, s3;
	s3 =	rddreg [dreg:$0x4];
	s10 =	smul.u32 $0x2700, s22  }
0x7: {  	s30 =	simm.s32 $0x0;
	[smem:$0x7FF] =	sst s4;
	s13 =	smul.u32 $0x13800, s22  }
0x8: {  	s16 =	sadd.s32 $0x4A400, s0;
	s17 =	sadd.s32 $0x40600, s0;
	s8 =	smul.u32 $0x27100, s6  }
0x9: {  	s14 =	sadd.s32 $0x138000, s2;
	p0 =	sne.s32 s22, $0xF;
	s9 =	smul.u32 $0x271000, s6  }
0xa: {  	s26 =	sshll.u32 s22, $0x6;
	_ =	strace $0x8000004A;
	s19 =	smul.u32 $0x138800, s6  }
0xb: {  	s11 =	ssub.s32 $0x2, s6;
	[dreg:$0xa] =	wrdreg s14;
	s6 =	smul.u32 $0x4E200, s6  }
0xc: {  	s20 =	sshrl.u32 s10, $0x3;
	s23 =	sshrl.u32 s11, $0x1;
	s24 =	sadd.s32 s13, s2  }
0xd: {  	s25 =	sshrl.u32 s13, $0x3;
	s31 =	sadd.s32 s10, s3;
	s7 =	sadd.s32 s7, s8  }
0xe: {  	s9 =	sadd.s32 s9, s0;
	s12 =	sadd.s32 s20, s0;
	[dreg:$0x6] =	wrdreg s24  }
0xf: {  	s18 =	ssub.s32 s11, s23;
	[dreg:$0x8] =	wrdreg s31;
	s15 =	sadd.s32 s13, s19  }
0x10: {  	s10 =	sadd.s32 s10, s8;
	s20 =	sadd.s32 $0x27000, s3;
	s13 =	sadd.s32 $0xA600, s0  }
0x11: {  	s23 =	sshrl.u32 s19, $0x3;
	s24 =	sshrl.u32 s8, $0x3;
	s1 =	sadd.s32 s6, s1  }
0x12: {  	s7 =	sshrl.u32 s7, $0x3;
	s12 =	sadd.s32 $0x5800, s12;
	[dreg:$0xc] =	wrdreg s20  }
0x13: {  	s10 =	sshrl.u32 s10, $0x3;
	s18 =	smax.u32 s18, $0x1;
	s21 =	sadd.s32 s7, s0  }
0x14: {  	s7 =	sadd.s32 s5, s25;
	[dreg:$0x9] =	wrdreg s12;
	s5 =	sadd.s32 $0x27000, s5  }
0x15: {  	s0 =	sadd.s32 s16, s23;
	s25 =	smul.u32 $0x27100, s22;
	[dreg:$0x7] =	wrdreg s7  }
0x16: {  	s23 =	simm.s32 $0x15F90;
	s7 =	sor.u32 $0x1C03, s26;
	[dreg:$0xb] =	wrdreg s5  }
0x17: {  	s5 =	sshrl.u32 s15, $0x3;
	s15 =	sadd.s32 s17, s10;
	s26 =	smul.u32 $0x4E20, s22  }
0x18: {  	s21 =	sadd.s32 $0xF600, s21;
	s22 =	simm.s32 $0x3;
	s14 =	sadd.s32 s16, s5  }
0x19: {  	s5 =	sadd.s32 s17, s24;
	s16 =	sadd.s32 $0x27000, s0;
	s31 =	sadd.s32 s25, s9  }
0x1a: {  	s24 =	simm.s32 $0x16058;
	s25 =	simm.s32 $0x1C458;
	s17 =	sadd.s32 $0x4E00, s5  }
0x1b: {  	s19 =	sadd.s32 s26, s1;
	s20 =	sadd.s32 $0x1972C00, s31;
	s26 =	simm.s32 $0x1  }
.LBB2_1:
0x1c: {  	s0 =	rddreg [dreg:$0x6]  }
0x1d: {  	s9 =	rddreg [dreg:$0x7];
	s31 =	sshrl.u32 s0, $0x3  }
0x1e: {  	[spmem:s31], [sflag:s7] =	dma.local [hbm:s9], $0x2700  }
0x1f: {  	_ =	swait.ge [sflag:s22], $0x2700  }
0x20: {  	[sflag:s22] =	ssyncset.done $0x0;
	s10 =	rddreg [dreg:$0x8]  }
0x21: {  	s11 =	rddreg [dreg:$0x9];
	[sflag:s22] =	ssyncadd.s32 $0xFFFFD900;
	s1 =	sshrl.u32 s10, $0x3  }
0x22: {  	[spmem:s1], [sflag:s7] =	dma.local [hbm:s11], $0x4E0  }
0x23: {  	_ =	swait.ge [sflag:s22], $0x4E0  }
0x24: {  	s6 =	simm.s32 @!p0 $0x3;
	[sflag:s22] =	ssyncset.done $0x0;
	s0 =	rddreg [dreg:$0xa]  }
0x25: {  	s5 =	rddreg [dreg:$0xb];
	[sflag:s22] =	ssyncadd.s32 $0xFFFFFB20;
	s0 =	sshrl.u32 @!p0 s0, $0x3  }
0x26: {  	[spmem:s0], [sflag:s7] =	dma.local @!p0 [hbm:s5], $0x100  }
0x27: {  	_ =	swait.ge @!p0 [sflag:s6], $0x100  }
0x28: {  	[sflag:s6] =	ssyncset.done @!p0 $0x0;
	s5 =	rddreg [dreg:$0xc]  }
0x29: {  	[sflag:s6] =	ssyncadd.s32 @!p0 $0xFFFFFF00;
	s5 =	sshrl.u32 @!p0 s5, $0x3  }
0x2a: {  	[spmem:s5], [sflag:s7] =	dma.local @!p0 [hbm:s13], $0x20  }
0x2b: {  	_ =	swait.ge @!p0 [sflag:s6], $0x20  }
0x2c: {  	[sflag:s6] =	ssyncset.done @!p0 $0x0  }
0x2d: {  	[sflag:s6] =	ssyncadd.s32 @!p0 $0xFFFFFFE0  }
0x2e: {  	s12 =	sadd.s32 $0x0, s21;
	[bflag:$0x0] =	sbarrier.arrive $0xFFFF  }
0x2f: {  	[tilespmem:s23], [sflag:$0x3] =	stream.linear.gather [hbm4b:s12+s4], $0xC8, $0x38;
	[tilespmem:$0x1D0D8] =	vst v63  }
0x30: {  	_ =	swait.ge [sflag:s22], $0xC8  }
0x31: {  	[sflag:s22] =	ssyncset.done $0x0  }
0x32: {  	[sflag:s22] =	ssyncadd.s32 $0xFFFFFF38  }
0x33: {  	[tilespmem:s24], [sflag:$0x1] =	stream.linear.gather [hbm4b:s20+s4], $0x6400, $0x38;
	[tilespmem:$0x1D0D8] =	vst v63  }
0x34: {  	_ = 	snop  }
0x35: {  	[tilespmem:s25], [sflag:$0x2] =	stream.linear.gather [hbm4b:s19+s4], $0xC80, $0x38;
	[tilespmem:$0x1D0D8] =	vst v63  }
0x36: {  	_ =	swait.ge [sflag:s26], $0x6400  }
0x37: {  	[sflag:s26] =	ssyncset.done $0x0  }
0x38: {  	[sflag:s26] =	ssyncadd.s32 $0xFFFF9C00  }
0x39: {  	_ =	swait.ge [sflag:s28], $0xC80  }
0x3a: {  	[sflag:s28] =	ssyncset.done $0x0  }
0x3b: {  	[sflag:s28] =	ssyncadd.s32 $0xFFFFF380  }
0x3c: {  	[spmem:s2] =	stream.indirect.scatter.add.f32 [tilespmem:s24], [sflag:$0x3], $0x80, s23, s29, $0xb8;
	[tilespmem:$0x1D0D8] =	vst v63  }
0x3d: {  	_ =	swait.ge [sflag:s22], $0x6400  }
0x3e: {  	[sflag:s22] =	ssyncset.done $0x0  }
0x3f: {  	[sflag:s22] =	ssyncadd.s32 $0xFFFF9C00  }
0x40: {  	[spmem:s3] =	stream.indirect.scatter.add.f32 [tilespmem:s25], [sflag:$0x3], $0x10, s23, s29, $0xb8;
	[tilespmem:$0x1D0D8] =	vst v63  }
0x41: {  	s8 =	sadd.s32 $0xC80, s20;
	s9 =	simm.s32 $0x19;
	_ =	swait.ge [sflag:s22], $0xC80  }
0x42: {  	s10 =	simm.s32 $0x32;
	s6 =	sadd.s32 $0x190, s19;
	[sflag:s22] =	ssyncset.done $0x0  }
.LBB2_2:
0x43: {  	s11 =	sadd.s32 s9, s21  }
0x44: {  	[sflag:s22] =	ssyncadd.s32 $0xFFFFF380;
	s9 =	smov.u32 s10;
	s12 =	sadd.s32 $0x19, s10  }
0x45: {  	[tilespmem:s23], [sflag:$0x3] =	stream.linear.gather [hbm4b:s11+s4], $0xC8, $0x38;
	[tilespmem:$0x1D0D8] =	vst v63  }
0x46: {  	p1 =	sne.s32 s10, $0x4C9;
	_ =	swait.ge [sflag:s22], $0xC8  }
0x47: {  	[sflag:s22] =	ssyncset.done $0x0  }
0x48: {  	[sflag:s22] =	ssyncadd.s32 $0xFFFFFF38  }
0x49: {  	[tilespmem:s24], [sflag:$0x1] =	stream.linear.gather [hbm4b:s8+s4], $0x6400, $0x38;
	[tilespmem:$0x1D0D8] =	vst v63  }
0x4a: {  	_ = 	snop  }
0x4b: {  	[tilespmem:s25], [sflag:$0x2] =	stream.linear.gather [hbm4b:s6+s4], $0xC80, $0x38;
	[tilespmem:$0x1D0D8] =	vst v63  }
0x4c: {  	_ =	swait.ge [sflag:s26], $0x6400  }
0x4d: {  	[sflag:s26] =	ssyncset.done $0x0  }
0x4e: {  	[sflag:s26] =	ssyncadd.s32 $0xFFFF9C00  }
0x4f: {  	_ =	swait.ge [sflag:s28], $0xC80  }
0x50: {  	[sflag:s28] =	ssyncset.done $0x0  }
0x51: {  	[sflag:s28] =	ssyncadd.s32 $0xFFFFF380  }
0x52: {  	[spmem:s2] =	stream.indirect.scatter.add.f32 [tilespmem:s24], [sflag:$0x3], $0x80, s23, s29, $0xb8;
	[tilespmem:$0x1D0D8] =	vst v63  }
0x53: {  	_ =	swait.ge [sflag:s22], $0x6400  }
.Ltmp0:
0x54: {  	[sflag:s22] =	ssyncset.done $0x0;
	(pc) =	sbr.rel @p1 .LBB2_2-.Ltmp0, $4  }
0x55: {  	[sflag:s22] =	ssyncadd.s32 $0xFFFF9C00  }
0x56: {  	[spmem:s3] =	stream.indirect.scatter.add.f32 [tilespmem:s25], [sflag:$0x3], $0x10, s23, s29, $0xb8;
	[tilespmem:$0x1D0D8] =	vst v63  }
0x57: {  	s10 =	smov.u32 s12;
	_ =	swait.ge [sflag:s22], $0xC80  }
0x58: {  	s8 =	sadd.s32 $0xC80, s8;
	s6 =	sadd.s32 $0x190, s6;
	[sflag:s22] =	ssyncset.done $0x0  }
0x59: {  	s9 =	sadd.s32 s9, s21;
	[sflag:s22] =	ssyncadd.s32 $0xFFFFF380  }
0x5a: {  	[tilespmem:s23], [sflag:$0x3] =	stream.linear.gather [hbm4b:s9+s4], $0xC8, $0x38;
	[tilespmem:$0x1D0D8] =	vst v63  }
0x5b: {  	_ =	swait.ge [sflag:s22], $0xC8  }
0x5c: {  	[sflag:s22] =	ssyncset.done $0x0  }
0x5d: {  	[sflag:s22] =	ssyncadd.s32 $0xFFFFFF38  }
0x5e: {  	[tilespmem:s24], [sflag:$0x1] =	stream.linear.gather [hbm4b:s8+s4], $0x6400, $0x38;
	[tilespmem:$0x1D0D8] =	vst v63  }
0x5f: {  	_ = 	snop  }
0x60: {  	[tilespmem:s25], [sflag:$0x2] =	stream.linear.gather [hbm4b:s6+s4], $0xC80, $0x38;
	[tilespmem:$0x1D0D8] =	vst v63  }
0x61: {  	_ =	swait.ge [sflag:s26], $0x6400  }
0x62: {  	[sflag:s26] =	ssyncset.done $0x0  }
0x63: {  	[sflag:s26] =	ssyncadd.s32 $0xFFFF9C00  }
0x64: {  	_ =	swait.ge [sflag:s28], $0xC80  }
0x65: {  	[sflag:s28] =	ssyncset.done $0x0  }
0x66: {  	[sflag:s28] =	ssyncadd.s32 $0xFFFFF380  }
0x67: {  	[spmem:s2] =	stream.indirect.scatter.add.f32 [tilespmem:s24], [sflag:$0x3], $0x80, s23, s29, $0xb8;
	[tilespmem:$0x1D0D8] =	vst v63  }
0x68: {  	_ =	swait.ge [sflag:s22], $0x6400  }
0x69: {  	[sflag:s22] =	ssyncset.done $0x0  }
0x6a: {  	[sflag:s22] =	ssyncadd.s32 $0xFFFF9C00  }
0x6b: {  	[spmem:s3] =	stream.indirect.scatter.add.f32 [tilespmem:s25], [sflag:$0x3], $0x10, s23, s29, $0xb8;
	[tilespmem:$0x1D0D8] =	vst v63  }
0x6c: {  	_ =	swait.ge [sflag:s22], $0xC80  }
0x6d: {  	[sflag:s22] =	ssyncset.done $0x0  }
0x6e: {  	[sflag:s22] =	ssyncadd.s32 $0xFFFFF380  }
0x6f: {  	[bflag:$0x0] =	sbarrier.arrive $0xFFFF  }
0x70: {  	[hbm:s14], [sflag:s7] =	dma.local [spmem:s31], $0x2700  }
0x71: {  	_ =	swait.ge [sflag:s22], $0x2700  }
0x72: {  	[sflag:s22] =	ssyncset.done $0x0  }
0x73: {  	[sflag:s22] =	ssyncadd.s32 $0xFFFFD900  }
0x74: {  	[hbm:s15], [sflag:s7] =	dma.local [spmem:s1], $0x4E0  }
0x75: {  	_ =	swait.ge [sflag:s22], $0x4E0  }
0x76: {  	[sflag:s22] =	ssyncset.done $0x0  }
0x77: {  	[sflag:s22] =	ssyncadd.s32 $0xFFFFFB20  }
0x78: {  	[hbm:s16], [sflag:s7] =	dma.local @!p0 [spmem:s0], $0x100  }
0x79: {  	s0 =	simm.s32 @!p0 $0x3  }
0x7a: {  	s30 =	sadd.s32 $0x1, s30;
	_ =	swait.ge @!p0 [sflag:s0], $0x100  }
0x7b: {  	p1 =	sne.s32 s30, s18;
	[sflag:s0] =	ssyncset.done @!p0 $0x0  }
.Ltmp1:
0x7c: {  	[sflag:s0] =	ssyncadd.s32 @!p0 $0xFFFFFF00;
	(pc) =	sbr.rel @p1 .LBB2_1-.Ltmp1, $4  }
0x7d: {  	[hbm:s17], [sflag:s7] =	dma.local @!p0 [spmem:s5], $0x20  }
0x7e: {  	_ =	swait.ge @!p0 [sflag:s0], $0x20  }
0x7f: {  	[sflag:s0] =	ssyncset.done @!p0 $0x0  }
0x80: {  	[sflag:s0] =	ssyncadd.s32 @!p0 $0xFFFFFFE0  }
0x81: {  	_ =	sfence.sel $0x180000  }
0x82: {  	[bflag:$0x0] =	sbarrier.arrive $0xFFFF  }
0x83: {  	_ =	strace $0x9000004A  }
0x84: {  	s0 =	stileid.u32;
	[bflag:$0x2] =	sbarrier.arrive $0xFFFF  }
0x85: {  	p0 =	sne.s32 s0, $0x0;
	s0 =	rddreg [dreg:$0x5]  }
0x86: {  	s0 =	sadd.s32 @!p0 $0x100000, s0  }
0x87: {  	[sflag:s0] =	ssyncadd.tile.s32 @!p0 $0x1;
	_ =	shalt  }
.Lfunc_end2:
_tile_overlayer_lowered:
.L_overlay_start_2:
0x88: {  	(tag) =	ssettag $0x2  }
0x89: {  	s0 =	rddreg [dreg:$0x0];
	s2 =	stileid.u32  }
0x8a: {  	s1 =	rddreg [dreg:$0x1];
	p0 =	sne.s32 s2, $0x0  }
0x8b: {  	s3 =	rddreg [dreg:$0x2];
	[bflag:$0x3] =	sbarrier.arrive $0xFFFF;
	s2 =	simm.s32 @!p0 $0x1C03  }
0x8c: {  	[timem:s3], [sflag:s2] =	dma.local @!p0 [hbm:s0], s1  }
0x8d: {  	s0 =	simm.s32 @!p0 $0x3  }
0x8e: {  	_ =	swait.ge @!p0 [sflag:s0], s1  }
0x8f: {  	s1 =	ssub.s32 @!p0 $0x0, s1;
	[sflag:s0] =	ssyncset.done @!p0 $0x0  }
0x90: {  	[sflag:s0] =	ssyncadd.s32 @!p0 s1  }
0x91: {  	[bflag:$0x3] =	sbarrier.arrive $0xFFFF  }
0x92: {  	_ =	shalt  }

// kernel: kernel.7.cloned.1.call-start
scs
__scs_entry_jumppad:
0x0: {  	(pc) =	sbr.rel $0x88, $3  }
0x1: {  	(tag) =	ssettag $0x0;
	lr =	simm.s32 $0x1  }
0x2: {  	[smem:$0x3F91] =	sst lr;
	_ =	strace $0xD0000000  }
0x3: {  	_ = 	snop  }
0x4: {  	_ = 	snop  }
0x5: {  	_ = 	snop  }
0x6: {  	_ = 	snop  }
0x7: {  	_ = 	snop  }
__scs_overlays_trampoline_lowered:
0x8: {  	[smem:$0x3FA0] =	sst s0  }
0x9: {  	[smem:$0x3FA1] =	sst s1  }
0xa: {  	[smem:$0x3FA2] =	sst s2  }
0xb: {  	[smem:$0x3FA3] =	sst s3  }
0xc: {  	[smem:$0x3FA4] =	sst s4  }
0xd: {  	[smem:$0x3FA5] =	sst s5  }
0xe: {  	[smem:$0x3FA6] =	sst s6  }
0xf: {  	[smem:$0x3FA7] =	sst s7  }
0x10: {  	[smem:$0x3FA8] =	sst s8  }
0x11: {  	[smem:$0x3FA9] =	sst s9;
	s0 =	simm.s32 @!p0 $0x0  }
0x12: {  	s1 =	sld [smem:$0x3F8F];
	s0 =	simm.s32 @p0 $0x1  }
0x13: {  	[smem:$0x3FAA] =	sst s0;
	s0 =	simm.s32 @!p1 $0x0  }
0x14: {  	s2 =	sld [smem:$0x3F8E];
	s0 =	simm.s32 @p1 $0x1  }
0x15: {  	[smem:$0x3FAB] =	sst s0;
	s0 =	simm.s32 @!p2 $0x0  }
0x16: {  	s3 =	sld [smem:$0x3FDB];
	s0 =	simm.s32 @p2 $0x1  }
0x17: {  	s4 =	simm.s32 $0x1BF5;
	[smem:$0x3FAD] =	sst s0  }
0x18: {  	s0 =	sld [smem:$0x3F90];
	_ =	swait.ge [sflag:s4], $0x0  }
0x19: {  	s7 =	sld [smem:$0x3F91]  }
0x1a: {  	s8 =	sadd.s32 $0xFFFFE003, lr  }
0x1b: {  	s9 =	sadd.s32 $0xFFFFFEF7, lr;
	s5 =	simm.s32 $0xFFFFFFFF;
	p2 =	slt.u32 s8, $0xFFFFF086  }
0x1c: {  	p1 =	slt.u32 s9, $0xF7A;
	s5 =	simm.s32 @!p2 $0x0  }
0x1d: {  	s5 =	simm.s32 @p1 $0x1;
	p0 =	seq.s32 s7, s2  }
0x1e: {  	s7 =	smul.u32 @!p0 $0xF7A, s2;
	p2 =	seq.s32 @!p0 s5, $0x0  }
0x1f: {  	s9 =	smul.u32 $0xF7A, s1;
	s8 =	simm.s32 @!p0 $0x1BF5;
	p2 =	por !p2, p0  }
0x20: {  	[sflag:s8] =	ssyncset.s32 @!p0 $0xFFFFF086;
	s6 =	sadd.s32 @!p0 s3, s7;
	s7 =	simm.s32 @!p0 $0x108  }
0x21: {  	s3 =	sadd.s32 s3, s9;
	s6 =	sadd.s32 @!p0 $0x88, s6;
	s7 =	simm.s32 @p2 $0x1082  }
0x22: {  	[simem:s7], [sflag:s8] =	dma.local @!p0 [hbm:s6], $0xF7A  }
0x23: {  	s9 =	sor.u32 $0xD0000000, s2;
	s6 =	simm.s32 $0x108;
	_ =	swait.ge @!p0 [sflag:s8], $0x0  }
0x24: {  	s3 =	sadd.s32 $0x88, s3;
	s6 =	simm.s32 @!p1 $0x1082;
	[sflag:s4] =	ssyncset.s32 $0xFFFFF086  }
0x25: {  	[simem:s6], [sflag:s4] =	dma.local [hbm:s3], $0xF7A  }
0x26: {  	[smem:$0x3F91] =	sst s1;
	(tag) =	ssettag s2;
	_ =	strace s9  }
0x27: {  	s1 =	sld [smem:$0x3FA1]  }
0x28: {  	s2 =	sld [smem:$0x3FA2]  }
0x29: {  	s4 =	sld [smem:$0x3FA4]  }
0x2a: {  	p0 =	seq.s32 s5, $0x0;
	s5 =	sld [smem:$0x3FA5]  }
0x2b: {  	s6 =	sld [smem:$0x3FA6]  }
0x2c: {  	s7 =	sld [smem:$0x3FA7]  }
0x2d: {  	s3 =	simm.s32 $0x108;
	s8 =	sld [smem:$0x3FA8]  }
0x2e: {  	s3 =	simm.s32 @!p0 $0x1082;
	s9 =	sld [smem:$0x3FA9]  }
0x2f: {  	lr =	sadd.s32 s0, s3;
	s0 =	sld [smem:$0x3FA0]  }
0x30: {  	s3 =	sld [smem:$0x3FA3]  }
0x31: {  	[smem:$0x3FAC] =	sst s10  }
0x32: {  	s10 =	sld [smem:$0x3FAA];
	_ =	sdelay $0x3  }
0x33: {  	p0 =	seq.s32 s10, $0x1;
	s10 =	sld [smem:$0x3FAC];
	_ =	sdelay $0x3  }
0x34: {  	[smem:$0x3FAC] =	sst s10  }
0x35: {  	s10 =	sld [smem:$0x3FAB];
	_ =	sdelay $0x3  }
0x36: {  	p1 =	seq.s32 s10, $0x1;
	s10 =	sld [smem:$0x3FAC];
	_ =	sdelay $0x3  }
0x37: {  	[smem:$0x3FAC] =	sst s10  }
0x38: {  	s10 =	sld [smem:$0x3FAD]  }
0x39: {  	_ = 	snop;
	(pc) =	sbr.ind lr, $3  }
0x3a: {  	_ = 	snop  }
0x3b: {  	_ = 	snop  }
0x3c: {  	p2 =	seq.s32 s10, $0x1;
	s10 =	sld [smem:$0x3FAC]  }
0x3d: {  	_ =	shalt  }
0x3e: {  	_ =	shalt  }
0x3f: {  	_ =	shalt  }
0x40: {  	_ =	shalt  }
0x41: {  	_ =	shalt  }
0x42: {  	_ =	shalt  }
0x43: {  	_ =	shalt  }
0x44: {  	_ =	shalt  }
0x45: {  	_ =	shalt  }
0x46: {  	_ =	shalt  }
0x47: {  	_ =	shalt  }
0x48: {  	_ =	shalt  }
0x49: {  	_ =	shalt  }
0x4a: {  	_ =	shalt  }
0x4b: {  	_ =	shalt  }
0x4c: {  	_ =	shalt  }
0x4d: {  	_ =	shalt  }
0x4e: {  	_ =	shalt  }
0x4f: {  	_ =	shalt  }
0x50: {  	_ =	shalt  }
0x51: {  	_ =	shalt  }
0x52: {  	_ =	shalt  }
0x53: {  	_ =	shalt  }
0x54: {  	_ =	shalt  }
0x55: {  	_ =	shalt  }
0x56: {  	_ =	shalt  }
0x57: {  	_ =	shalt  }
0x58: {  	_ =	shalt  }
0x59: {  	_ =	shalt  }
0x5a: {  	_ =	shalt  }
0x5b: {  	_ =	shalt  }
0x5c: {  	_ =	shalt  }
0x5d: {  	_ =	shalt  }
0x5e: {  	_ =	shalt  }
0x5f: {  	_ =	shalt  }
0x60: {  	_ =	shalt  }
0x61: {  	_ =	shalt  }
0x62: {  	_ =	shalt  }
0x63: {  	_ =	shalt  }
0x64: {  	_ =	shalt  }
0x65: {  	_ =	shalt  }
0x66: {  	_ =	shalt  }
0x67: {  	_ =	shalt  }
0x68: {  	_ =	shalt  }
0x69: {  	_ =	shalt  }
0x6a: {  	_ =	shalt  }
0x6b: {  	_ =	shalt  }
0x6c: {  	_ =	shalt  }
0x6d: {  	_ =	shalt  }
0x6e: {  	_ =	shalt  }
0x6f: {  	_ =	shalt  }
0x70: {  	_ =	shalt  }
0x71: {  	_ =	shalt  }
0x72: {  	_ =	shalt  }
0x73: {  	_ =	shalt  }
0x74: {  	_ =	shalt  }
0x75: {  	_ =	shalt  }
0x76: {  	_ =	shalt  }
0x77: {  	_ =	shalt  }
0x78: {  	_ =	shalt  }
0x79: {  	_ =	shalt  }
0x7a: {  	_ =	shalt  }
0x7b: {  	_ =	shalt  }
0x7c: {  	_ =	shalt  }
0x7d: {  	_ =	shalt  }
0x7e: {  	_ =	shalt  }
0x7f: {  	_ =	shalt  }
0x80: {  	_ =	shalt  }
0x81: {  	_ =	shalt  }
0x82: {  	_ =	shalt  }
0x83: {  	_ =	shalt  }
0x84: {  	_ =	shalt  }
0x85: {  	_ =	shalt  }
0x86: {  	_ =	shalt  }
0x87: {  	_ =	shalt  }
.Lfunc_end0:
.L_simem_size_0:
called_computation_lowered:
.L_overlay_start_0:
0x88: {  	s2 =	sld [smem:$0x3FD9]  }
0x89: {  	s3 =	sld [smem:$0x3FFE];
	_ =	sdelay $0x1  }
0x8a: {  	s1 =	srdreg.scid  }
0x8b: {  	s0 =	sand.u32 $0x1, s1  }
0x8c: {  	s14 =	sshll.u32 s0, $0xA;
	s2 =	sadd.s32 s3, s2  }
0x8d: {  	s2 =	sadd.s32 s2, s14  }
0x8e: {  	[smem:$0x3FB8] =	sst s2  }
0x8f: {  	_ = 	snop  }
0x90: {  	s2 =	sld [smem:$0x3FD0];
	_ =	sdelay $0x2  }
0x91: {  	s15 =	simm.s32 $0xA;
	s4 =	simm.s32 $0x10  }
0x92: {  	[smem:s4], [sflag:s15] =	dma.local [hbm:s2], $0x1  }
0x93: {  	_ =	swait.eq [sflag:s15], $0x1  }
0x94: {  	[sflag:s15] =	ssyncset.done $0x0  }
0x95: {  	s16 =	sld [smem:$0x10];
	[sflag:s15] =	ssyncadd.s32 $0xFFFFFFFF  }
0x96: {  	s17 =	sld [smem:$0x12];
	(tm) =	ssettm $0x1  }
0x97: {  	s18 =	sld [smem:$0x3FFB];
	_ =	sdelay $0x3  }
0x98: {  	_ =	strace s18  }
0x99: {  	s4 =	sld [smem:$0x3FFC];
	_ =	sdelay $0x3  }
0x9a: {  	_ =	strace s4  }
0x9b: {  	s4 =	sld [smem:$0x3FFD];
	_ =	sdelay $0x3  }
0x9c: {  	_ =	strace s4  }
0x9d: {  	_ =	strace $0x8FFFFFFF  }
0x9e: {  	s19 =	sld [smem:$0x3FDB];
	_ =	sdelay $0x1  }
0x9f: {  	s5 =	simm.s32 $_scs_section_size  }
0xa0: {  	s6 =	simm.s32 $_size__tile_overlayer_lowered;
	s7 =	simm.s32 $_tile_overlayer_lowered  }
0xa1: {  	s22 =	simm.s32 $0x1BFF;
	s21 =	sshll.u32 s7, $0x1;
	s4 =	sadd.s32 s5, s19  }
0xa2: {  	s8 =	simm.s32 $0x0;
	s20 =	sshll.u32 s6, $0x1;
	s6 =	sadd.s32 s21, s4  }
0xa3: {  	[timem:s8], [sflag:s22] =	dma.local [hbm:s6], s20  }
0xa4: {  	_ =	swait.ge [sflag:s22], s20  }
0xa5: {  	s5 =	ssub.s32 $0x0, s20;
	[sflag:s22] =	ssyncset.done $0x0  }
0xa6: {  	[sflag:s22] =	ssyncadd.s32 s5;
	_ =	sdelay $0x1  }
0xa7: {  	s23 =	simm.s32 $0x1B8B  }
0xa8: {  	_ =	swait.ge [sflag:s23], $0x1  }
0xa9: {  	[sflag:s23] =	ssyncset.done $0x0  }
0xaa: {  	s25 =	simm.s32 $0x1B8E;
	s24 =	sld [smem:$0x3FFE];
	[sflag:s23] =	ssyncadd.s32 $0xFFFFFFFF  }
0xab: {  	s26 =	simm.s32 $execute0_lowered;
	[smem:$0x3FD2] =	sst s25  }
0xac: {  	s6 =	sshll.u32 s26, $0x1;
	_ =	strace $0x80000046;
	[dreg:$0x1] =	wrdreg $0xFFFFFFFF  }
0xad: {  	s28 =	simm.s32 $_size_execute0_lowered;
	s4 =	sadd.s32 s4, s6;
	[dreg:$0x0] =	wrdreg $0x0  }
0xae: {  	s6 =	sshll.u32 s28, $0x1;
	[dreg:$0x2] =	wrdreg s4  }
0xaf: {  	[dreg:$0x3] =	wrdreg s6  }
0xb0: {  	[dreg:$0x4] =	wrdreg $0xC0  }
0xb1: {  	_ =	task [dreg:s8], $0x5FFFF  }
0xb2: {  	[dreg:$0x1] =	wrdreg $0xFFFFFFFF  }
0xb3: {  	[dreg:$0x0] =	wrdreg $0x60  }
0xb4: {  	[dreg:$0x2] =	wrdreg s24  }
0xb5: {  	[dreg:$0x3] =	wrdreg s16  }
0xb6: {  	[dreg:$0x4] =	wrdreg s17  }
0xb7: {  	[dreg:$0x5] =	wrdreg $0x9  }
0xb8: {  	_ =	task.clear_ibuf [dreg:s8], $0x6FFFF;
	_ =	strace $0x90000046  }
0xb9: {  	s29 =	simm.s32 $0x9;
	_ =	strace $0x80000048  }
0xba: {  	_ =	swait.ge [sflag:s29], $0x1  }
0xbb: {  	[sflag:s29] =	ssyncadd.s32 $0xFFFFFFFF  }
0xbc: {  	_ =	strace $0x90000048  }
0xbd: {  	_ =	sfence  }
0xbe: {  	s30 =	sld [smem:$0x0];
	_ =	sdelay $0x2  }
0xbf: {  	s31 =	sshll.u32 s1, $0xD;
	s1 =	sshrl.u32 s1, $0x2  }
0xc0: {  	s3 =	sand.u32 $0x4000, s31;
	s1 =	sadd.s32 s1, s30  }
0xc1: {  	s0 =	sor.u32 s3, s0;
	s1 =	sshll.u32 s1, $0x11  }
0xc2: {  	s0 =	sor.u32 s1, s0  }
0xc3: {  	s0 =	sadd.s32 $0x8F2B, s0  }
0xc4: {  	[sflag:s0] =	ssyncadd.remote.s32 $0x1  }
0xc5: {  	_ =	sfence.sel $0xFFFF  }
0xc6: {  	[dreg:$0x0] =	wrdreg $0xFFFFFFFF;
	(pc) =	sbr.abs _section_cstart, $3  }
0xc7: {  	[dreg:$0x1] =	wrdreg $0xFFFFFFFF  }
0xc8: {  	_ =	task.clear_ibuf [dreg:s8], $0x2FFFF;
	_ =	strace $0x9FFFFFFF  }
0xc9: {  	(tm) =	ssettm $0x7FFFFFFF  }
tec
execute0_lowered:
.L_overlay_start_1:
0x0: {  	(tag) =	ssettag $0x1  }
0x1: {  	s0 =	rddreg [dreg:$0x0]  }
0x2: {  	s1 =	rddreg [dreg:$0x2]  }
0x3: {  	s2 =	simm.s32 $0x0;
	s3 =	srdreg.scid;
	s4 =	stileid.u32  }
0x4: {  	[smem:$0x7FF] =	sst s2;
	s5 =	sadd.s32 $0xF600, s0;
	s28 =	sadd.s32 $0x5800, s0  }
0x5: {  	s6 =	sadd.s32 $0x45600, s0;
	s3 =	sand.u32 $0x1, s3;
	s8 =	smul.u32 $0x4E20, s4  }
0x6: {  	s7 =	sshll.u32 s4, $0x1;
	s9 =	sadd.s32 $0x108C00, s0;
	s12 =	sadd.s32 $0x5EAC00, s0  }
0x7: {  	_ =	strace $0x80000047;
	s10 =	sor.u32 s3, s7;
	s11 =	smul.u32 $0x2710, s3  }
0x8: {  	s7 =	sadd.s32 $0x40600, s0;
	s13 =	ssub.s32 $0x2, s3;
	s10 =	smul.u32 $0x2710, s10  }
0x9: {  	s0 =	sadd.s32 $0x6C800, s0;
	s18 =	sshrl.u32 s13, $0x1;
	s8 =	sadd.s32 s11, s8  }
0xa: {  	s11 =	ssub.s32 s13, s18;
	s14 =	sshrl.u32 s10, $0x3;
	s15 =	sadd.s32 $0xC8, s8  }
0xb: {  	s18 =	smul.u32 $0x9C40, s4;
	s19 =	sadd.s32 s5, s14;
	s13 =	sshrl.u32 s15, $0x3  }
0xc: {  	s14 =	sadd.s32 s28, s14;
	[dreg:$0xc] =	wrdreg s19;
	s15 =	sshll.u32 s13, $0x4  }
0xd: {  	[dreg:$0xd] =	wrdreg s14;
	s14 =	sadd.s32 $0x2648, s10;
	s17 =	sadd.s32 s15, s1  }
0xe: {  	s20 =	sshll.u32 s13, $0x7;
	s15 =	sadd.s32 s15, s0;
	[dreg:$0x4] =	wrdreg s17  }
0xf: {  	s10 =	sadd.s32 $0x2580, s10;
	s21 =	sadd.s32 s20, s9;
	[dreg:$0x5] =	wrdreg s15  }
0x10: {  	s22 =	sadd.s32 s20, s12;
	s19 =	sshll.u32 s10, $0x4;
	[dreg:$0x6] =	wrdreg s21  }
0x11: {  	s23 =	smul.u32 $0x4E20, s3;
	[dreg:$0x7] =	wrdreg s22;
	s20 =	sadd.s32 s9, s19  }
0x12: {  	s24 =	sadd.s32 s18, s0;
	s19 =	sadd.s32 s12, s19;
	[dreg:$0xe] =	wrdreg s20  }
0x13: {  	s10 =	sshll.u32 s10, $0x1;
	s15 =	sadd.s32 s23, s24;
	[dreg:$0xf] =	wrdreg s19  }
0x14: {  	s25 =	sadd.s32 s18, s1;
	s26 =	sadd.s32 s1, s10;
	[dreg:$0x8] =	wrdreg s15  }
0x15: {  	s29 =	sshll.u32 s14, $0x1;
	s10 =	sadd.s32 s0, s10;
	[dreg:$0x10] =	wrdreg s26  }
0x16: {  	s16 =	sshrl.u32 s14, $0x3;
	s1 =	sadd.s32 s1, s29;
	[dreg:$0x11] =	wrdreg s10  }
0x17: {  	s14 =	sshll.u32 s14, $0x4;
	s0 =	sadd.s32 s0, s29;
	[dreg:$0x12] =	wrdreg s1  }
0x18: {  	s31 =	simm.s32 $0x14820;
	s18 =	sadd.s32 s9, s14;
	[dreg:$0x13] =	wrdreg s0  }
0x19: {  	s30 =	simm.s32 $0x190;
	s22 =	sadd.s32 s5, s16;
	[dreg:$0x14] =	wrdreg s18  }
0x1a: {  	s17 =	smul.u32 $0x4E200, s4;
	s24 =	smax.u32 s11, $0x1;
	[dreg:$0x16] =	wrdreg s22  }
0x1b: {  	s29 =	sadd.s32 s13, s5;
	s15 =	sadd.s32 s23, s25;
	[dreg:$0x18] =	wrdreg s24  }
0x1c: {  	s19 =	sadd.s32 s12, s14;
	s20 =	smul.u32 $0x27100, s3;
	[dreg:$0x1b] =	wrdreg s29  }
0x1d: {  	s23 =	sadd.s32 s28, s16;
	s25 =	sadd.s32 $0x190, s8;
	[dreg:$0x9] =	wrdreg s15  }
0x1e: {  	s26 =	sadd.s32 s13, s28;
	s24 =	simm.s32 $0x9;
	[dreg:$0x15] =	wrdreg s19  }
0x1f: {  	s13 =	simm.s32 $0x3;
	s14 =	simm.s32 $0x4;
	[dreg:$0x17] =	wrdreg s23  }
0x20: {  	s16 =	simm.s32 $0x6;
	s18 =	simm.s32 $0x8;
	[dreg:$0x19] =	wrdreg s25  }
0x21: {  	s21 =	sadd.s32 s17, s12;
	s0 =	sadd.s32 s17, s9;
	[dreg:$0x1a] =	wrdreg s26  }
0x22: {  	s25 =	simm.s32 $0xC8;
	s12 =	simm.s32 $0x2;
	s3 =	sadd.s32 s20, s21  }
0x23: {  	s15 =	simm.s32 $0x5;
	s0 =	sadd.s32 s20, s0;
	[dreg:$0xa] =	wrdreg s3  }
0x24: {  	s17 =	simm.s32 $0x7;
	[dreg:$0xb] =	wrdreg s0;
	s0 =	simm.s32 $0x0  }
.LBB2_1:
0x25: {  	[dreg:$0x1c] =	wrdreg s0  }
0x26: {  	s1 =	rddreg [dreg:$0xc]  }
0x27: {  	[tilespmem:s2], [sflag:$0x9] =	stream.linear.gather [hbm4b:s1+s2], $0xC8, $0x38;
	[tilespmem:$0x1C520] =	vst v63  }
0x28: {  	_ =	swait.ge [sflag:s24], $0xC8  }
0x29: {  	[sflag:s24] =	ssyncset.done $0x0  }
0x2a: {  	s10 =	rddreg [dreg:$0xd];
	[sflag:s24] =	ssyncadd.s32 $0xFFFFFF38  }
0x2b: {  	[tilespmem:s25], [sflag:$0x9] =	stream.linear.gather [hbm4b:s10+s2], $0xC8, $0x38;
	[tilespmem:$0x1C520] =	vst v63  }
0x2c: {  	_ =	swait.ge [sflag:s24], $0xC8  }
0x2d: {  	[sflag:s24] =	ssyncset.done $0x0  }
0x2e: {  	[sflag:s24] =	ssyncadd.s32 $0xFFFFFF38  }
0x2f: {  	s20 =	simm.s32 $0x190;
	s4 =	rddreg [dreg:$0x1]  }
0x30: {  	[tilespmem:s20], [sflag:$0x1] =	stream.indirect.gather [hbm4b:s4+s25], $0x80, s2, s25, $0xb8;
	[tilespmem:$0x1C520] =	vst v63  }
0x31: {  	s26 =	simm.s32 $0x6590  }
0x32: {  	[tilespmem:s26], [sflag:$0x2] =	stream.indirect.gather [hbm4b:s6+s25], $0x80, s25, s25, $0xb8;
	[tilespmem:$0x1C520] =	vst v63  }
0x33: {  	s3 =	simm.s32 $0xC990  }
0x34: {  	[tilespmem:s3], [sflag:$0x3] =	stream.indirect.gather [hbm4b:s7+s25], $0x10, s2, s25, $0xb8;
	[tilespmem:$0x1C520] =	vst v63  }
0x35: {  	s8 =	simm.s32 $0xD610  }
0x36: {  	[tilespmem:s8], [sflag:$0x4] =	stream.indirect.gather [hbm4b:s7+s25], $0x10, s25, s25, $0xb8;
	[tilespmem:$0x1C520] =	vst v63  }
0x37: {  	s11 =	simm.s32 $0xE290;
	s23 =	rddreg [dreg:$0x1b]  }
0x38: {  	[tilespmem:s11], [sflag:$0x9] =	stream.linear.gather [hbm4b:s23+s2], $0xC8, $0x38;
	[tilespmem:$0x1C520] =	vst v63  }
0x39: {  	_ =	swait.ge [sflag:s24], $0xC8  }
0x3a: {  	[sflag:s24] =	ssyncset.done $0x0  }
0x3b: {  	s19 =	simm.s32 $0xE358;
	s22 =	rddreg [dreg:$0x1a];
	[sflag:s24] =	ssyncadd.s32 $0xFFFFFF38  }
0x3c: {  	[tilespmem:s19], [sflag:$0x9] =	stream.linear.gather [hbm4b:s22+s2], $0xC8, $0x38;
	[tilespmem:$0x1C520] =	vst v63  }
0x3d: {  	_ =	swait.ge [sflag:s24], $0xC8  }
0x3e: {  	[sflag:s24] =	ssyncset.done $0x0  }
0x3f: {  	s9 =	simm.s32 $0xE420;
	[sflag:s24] =	ssyncadd.s32 $0xFFFFFF38  }
0x40: {  	[tilespmem:s9], [sflag:$0x5] =	stream.indirect.gather [hbm4b:s4+s25], $0x80, s11, s25, $0xb8;
	[tilespmem:$0x1C520] =	vst v63  }
0x41: {  	s10 =	simm.s32 $0x14820  }
0x42: {  	[tilespmem:s10], [sflag:$0x6] =	stream.indirect.gather [hbm4b:s6+s25], $0x80, s19, s25, $0xb8;
	[tilespmem:$0x1C520] =	vst v63  }
0x43: {  	s0 =	simm.s32 $0x1AC20  }
0x44: {  	[tilespmem:s0], [sflag:$0x7] =	stream.indirect.gather [hbm4b:s7+s25], $0x10, s11, s25, $0xb8;
	[tilespmem:$0x1C520] =	vst v63  }
0x45: {  	s11 =	simm.s32 $0x1B8A0  }
0x46: {  	[tilespmem:s11], [sflag:$0x8] =	stream.indirect.gather [hbm4b:s7+s25], $0x10, s19, s25, $0xb8;
	[tilespmem:$0x1C520] =	vst v63  }
0x47: {  	s19 =	simm.s32 $0x1  }
0x48: {  	_ =	swait.ge [sflag:s19], $0x6400  }
0x49: {  	[sflag:s19] =	ssyncset.done $0x0  }
0x4a: {  	[sflag:s19] =	ssyncadd.s32 $0xFFFF9C00  }
0x4b: {  	_ =	swait.ge [sflag:s12], $0x6400  }
0x4c: {  	[sflag:s12] =	ssyncset.done $0x0  }
0x4d: {  	[sflag:s12] =	ssyncadd.s32 $0xFFFF9C00  }
0x4e: {  	_ =	swait.ge [sflag:s13], $0xC80  }
0x4f: {  	[sflag:s13] =	ssyncset.done $0x0  }
0x50: {  	[sflag:s13] =	ssyncadd.s32 $0xFFFFF380  }
0x51: {  	_ =	swait.ge [sflag:s14], $0xC80  }
0x52: {  	s21 =	rddreg [dreg:$0xb];
	[sflag:s14] =	ssyncset.done $0x0  }
0x53: {  	[sflag:s14] =	ssyncadd.s32 $0xFFFFF380;
	s1 =	sadd.s32 $0x0, s21  }
0x54: {  	[hbm4b:s1+s2] =	stream.linear.scatter [tilespmem:s20], [sflag:$0x9], $0x6400, $0x38;
	[tilespmem:$0x1C520] =	vst v63  }
0x55: {  	_ =	swait.ge [sflag:s24], $0x6400  }
0x56: {  	s29 =	rddreg [dreg:$0xa];
	[sflag:s24] =	ssyncset.done $0x0  }
0x57: {  	[sflag:s24] =	ssyncadd.s32 $0xFFFF9C00;
	s1 =	sadd.s32 $0x0, s29  }
0x58: {  	[hbm4b:s1+s2] =	stream.linear.scatter [tilespmem:s26], [sflag:$0x9], $0x6400, $0x38;
	[tilespmem:$0x1C520] =	vst v63  }
0x59: {  	_ =	swait.ge [sflag:s24], $0x6400  }
0x5a: {  	s19 =	rddreg [dreg:$0x9];
	[sflag:s24] =	ssyncset.done $0x0  }
0x5b: {  	[sflag:s24] =	ssyncadd.s32 $0xFFFF9C00;
	s1 =	sadd.s32 $0x0, s19  }
0x5c: {  	[hbm4b:s1+s2] =	stream.linear.scatter [tilespmem:s3], [sflag:$0x9], $0xC80, $0x38;
	[tilespmem:$0x1C520] =	vst v63  }
0x5d: {  	_ =	swait.ge [sflag:s24], $0xC80  }
0x5e: {  	s21 =	rddreg [dreg:$0x8];
	[sflag:s24] =	ssyncset.done $0x0  }
0x5f: {  	[sflag:s24] =	ssyncadd.s32 $0xFFFFF380;
	s1 =	sadd.s32 $0x0, s21  }
0x60: {  	[hbm4b:s1+s2] =	stream.linear.scatter [tilespmem:s8], [sflag:$0x9], $0xC80, $0x38;
	[tilespmem:$0x1C520] =	vst v63  }
0x61: {  	_ =	swait.ge [sflag:s24], $0xC80  }
0x62: {  	s21 =	rddreg [dreg:$0x19]  }
0x63: {  	[sflag:s24] =	ssyncset.done $0x0;
	s1 =	sshrl.u32 s21, $0x3  }
0x64: {  	[sflag:s24] =	ssyncadd.s32 $0xFFFFF380;
	s29 =	sadd.s32 s5, s1  }
0x65: {  	[tilespmem:s2], [sflag:$0x9] =	stream.linear.gather [hbm4b:s29+s2], $0xC8, $0x38;
	[tilespmem:$0x1C520] =	vst v63  }
0x66: {  	_ =	swait.ge [sflag:s24], $0xC8  }
0x67: {  	[sflag:s24] =	ssyncset.done $0x0  }
0x68: {  	s1 =	sadd.s32 s28, s1;
	[sflag:s24] =	ssyncadd.s32 $0xFFFFFF38  }
0x69: {  	[tilespmem:s25], [sflag:$0x9] =	stream.linear.gather [hbm4b:s1+s2], $0xC8, $0x38;
	[tilespmem:$0x1C520] =	vst v63  }
0x6a: {  	_ =	swait.ge [sflag:s24], $0xC8  }
0x6b: {  	[sflag:s24] =	ssyncset.done $0x0  }
0x6c: {  	[sflag:s24] =	ssyncadd.s32 $0xFFFFFF38  }
0x6d: {  	[tilespmem:s20], [sflag:$0x1] =	stream.indirect.gather [hbm4b:s4+s25], $0x80, s2, s25, $0xb8;
	[tilespmem:$0x1C520] =	vst v63  }
0x6e: {  	_ = 	snop  }
0x6f: {  	[tilespmem:s26], [sflag:$0x2] =	stream.indirect.gather [hbm4b:s6+s25], $0x80, s25, s25, $0xb8;
	[tilespmem:$0x1C520] =	vst v63  }
0x70: {  	_ = 	snop  }
0x71: {  	[tilespmem:s3], [sflag:$0x3] =	stream.indirect.gather [hbm4b:s7+s25], $0x10, s2, s25, $0xb8;
	[tilespmem:$0x1C520] =	vst v63  }
0x72: {  	_ = 	snop  }
0x73: {  	[tilespmem:s8], [sflag:$0x4] =	stream.indirect.gather [hbm4b:s7+s25], $0x10, s25, s25, $0xb8;
	[tilespmem:$0x1C520] =	vst v63  }
0x74: {  	_ =	swait.ge [sflag:s15], $0x6400  }
0x75: {  	[sflag:s15] =	ssyncset.done $0x0  }
0x76: {  	[sflag:s15] =	ssyncadd.s32 $0xFFFF9C00  }
0x77: {  	_ =	swait.ge [sflag:s16], $0x6400  }
0x78: {  	[sflag:s16] =	ssyncset.done $0x0  }
0x79: {  	[sflag:s16] =	ssyncadd.s32 $0xFFFF9C00  }
0x7a: {  	_ =	swait.ge [sflag:s17], $0xC80  }
0x7b: {  	[sflag:s17] =	ssyncset.done $0x0  }
0x7c: {  	[sflag:s17] =	ssyncadd.s32 $0xFFFFF380  }
0x7d: {  	_ =	swait.ge [sflag:s18], $0xC80  }
0x7e: {  	s19 =	rddreg [dreg:$0x6];
	[sflag:s18] =	ssyncset.done $0x0  }
0x7f: {  	[sflag:s18] =	ssyncadd.s32 $0xFFFFF380;
	s1 =	sadd.s32 $0x0, s19  }
0x80: {  	[hbm4b:s1+s2] =	stream.linear.scatter [tilespmem:s9], [sflag:$0x9], $0x6400, $0x38;
	[tilespmem:$0x1C520] =	vst v63  }
0x81: {  	_ =	swait.ge [sflag:s24], $0x6400  }
0x82: {  	s20 =	rddreg [dreg:$0x7];
	[sflag:s24] =	ssyncset.done $0x0  }
0x83: {  	[sflag:s24] =	ssyncadd.s32 $0xFFFF9C00;
	s1 =	sadd.s32 $0x0, s20  }
0x84: {  	[hbm4b:s1+s2] =	stream.linear.scatter [tilespmem:s10], [sflag:$0x9], $0x6400, $0x38;
	[tilespmem:$0x1C520] =	vst v63  }
0x85: {  	_ =	swait.ge [sflag:s24], $0x6400  }
0x86: {  	s26 =	rddreg [dreg:$0x4];
	[sflag:s24] =	ssyncset.done $0x0  }
0x87: {  	[sflag:s24] =	ssyncadd.s32 $0xFFFF9C00;
	s1 =	sadd.s32 $0x0, s26  }
0x88: {  	[hbm4b:s1+s2] =	stream.linear.scatter [tilespmem:s0], [sflag:$0x9], $0xC80, $0x38;
	[tilespmem:$0x1C520] =	vst v63  }
0x89: {  	_ =	swait.ge [sflag:s24], $0xC80  }
0x8a: {  	s29 =	rddreg [dreg:$0x5];
	[sflag:s24] =	ssyncset.done $0x0  }
0x8b: {  	[sflag:s24] =	ssyncadd.s32 $0xFFFFF380;
	s1 =	sadd.s32 $0x0, s29  }
0x8c: {  	[hbm4b:s1+s2] =	stream.linear.scatter [tilespmem:s11], [sflag:$0x9], $0xC80, $0x38;
	[tilespmem:$0x1C520] =	vst v63  }
0x8d: {  	s23 =	sadd.s32 $0x32, s23;
	s22 =	sadd.s32 $0x32, s22;
	_ =	swait.ge [sflag:s24], $0xC80  }
0x8e: {  	s19 =	simm.s32 $0x0;
	s20 =	simm.s32 $0x320;
	[sflag:s24] =	ssyncset.done $0x0  }
.LBB2_2:
0x8f: {  	[sflag:s24] =	ssyncadd.s32 $0xFFFFF380;
	s3 =	simm.s32 $0xE290  }
0x90: {  	[tilespmem:s3], [sflag:$0x9] =	stream.linear.gather [hbm4b:s23+s2], $0xC8, $0x38;
	[tilespmem:$0x1C520] =	vst v63  }
0x91: {  	_ =	swait.ge [sflag:s24], $0xC8  }
0x92: {  	[sflag:s24] =	ssyncset.done $0x0  }
0x93: {  	s4 =	simm.s32 $0xE358;
	[sflag:s24] =	ssyncadd.s32 $0xFFFFFF38  }
0x94: {  	[tilespmem:s4], [sflag:$0x9] =	stream.linear.gather [hbm4b:s22+s2], $0xC8, $0x38;
	[tilespmem:$0x1C520] =	vst v63  }
0x95: {  	_ =	swait.ge [sflag:s24], $0xC8  }
0x96: {  	[sflag:s24] =	ssyncset.done $0x0  }
0x97: {  	[sflag:s24] =	ssyncadd.s32 $0xFFFFFF38  }
0x98: {  	s10 =	simm.s32 $0xE420;
	s26 =	rddreg [dreg:$0x1]  }
0x99: {  	[tilespmem:s10], [sflag:$0x5] =	stream.indirect.gather [hbm4b:s26+s25], $0x80, s3, s25, $0xb8;
	[tilespmem:$0x1C520] =	vst v63  }
0x9a: {  	_ = 	snop  }
0x9b: {  	[tilespmem:s31], [sflag:$0x6] =	stream.indirect.gather [hbm4b:s6+s25], $0x80, s4, s25, $0xb8;
	[tilespmem:$0x1C520] =	vst v63  }
0x9c: {  	s0 =	simm.s32 $0x1AC20  }
0x9d: {  	[tilespmem:s0], [sflag:$0x7] =	stream.indirect.gather [hbm4b:s7+s25], $0x10, s3, s25, $0xb8;
	[tilespmem:$0x1C520] =	vst v63  }
0x9e: {  	s11 =	simm.s32 $0x1B8A0;
	s8 =	simm.s32 $0x1  }
0x9f: {  	[tilespmem:s11], [sflag:$0x8] =	stream.indirect.gather [hbm4b:s7+s25], $0x10, s4, s25, $0xb8;
	[tilespmem:$0x1C520] =	vst v63  }
0xa0: {  	_ =	swait.ge [sflag:s8], $0x6400  }
0xa1: {  	[sflag:s8] =	ssyncset.done $0x0  }
0xa2: {  	[sflag:s8] =	ssyncadd.s32 $0xFFFF9C00  }
0xa3: {  	_ =	swait.ge [sflag:s12], $0x6400  }
0xa4: {  	[sflag:s12] =	ssyncset.done $0x0  }
0xa5: {  	[sflag:s12] =	ssyncadd.s32 $0xFFFF9C00  }
0xa6: {  	_ =	swait.ge [sflag:s13], $0xC80  }
0xa7: {  	[sflag:s13] =	ssyncset.done $0x0  }
0xa8: {  	[sflag:s13] =	ssyncadd.s32 $0xFFFFF380  }
0xa9: {  	_ =	swait.ge [sflag:s14], $0xC80  }
0xaa: {  	s19 =	sadd.s32 $0x1900, s19;
	s9 =	rddreg [dreg:$0xb];
	[sflag:s14] =	ssyncset.done $0x0  }
0xab: {  	[sflag:s14] =	ssyncadd.s32 $0xFFFFF380;
	s4 =	sadd.s32 s19, s9  }
0xac: {  	[hbm4b:s4+s2] =	stream.linear.scatter [tilespmem:s30], [sflag:$0x9], $0x6400, $0x38;
	[tilespmem:$0x1C520] =	vst v63  }
0xad: {  	_ =	swait.ge [sflag:s24], $0x6400  }
0xae: {  	s3 =	rddreg [dreg:$0xa];
	[sflag:s24] =	ssyncset.done $0x0  }
0xaf: {  	[sflag:s24] =	ssyncadd.s32 $0xFFFF9C00;
	s4 =	sadd.s32 s19, s3;
	s3 =	simm.s32 $0x6590  }
0xb0: {  	[hbm4b:s4+s2] =	stream.linear.scatter [tilespmem:s3], [sflag:$0x9], $0x6400, $0x38;
	[tilespmem:$0x1C520] =	vst v63  }
0xb1: {  	_ =	swait.ge [sflag:s24], $0x6400  }
0xb2: {  	s1 =	smov.u32 s20;
	s8 =	rddreg [dreg:$0x9];
	[sflag:s24] =	ssyncset.done $0x0  }
0xb3: {  	[sflag:s24] =	ssyncadd.s32 $0xFFFF9C00;
	s4 =	sadd.s32 s1, s8;
	s8 =	simm.s32 $0xC990  }
0xb4: {  	[hbm4b:s4+s2] =	stream.linear.scatter [tilespmem:s8], [sflag:$0x9], $0xC80, $0x38;
	[tilespmem:$0x1C520] =	vst v63  }
0xb5: {  	_ =	swait.ge [sflag:s24], $0xC80  }
0xb6: {  	s9 =	rddreg [dreg:$0x8];
	[sflag:s24] =	ssyncset.done $0x0  }
0xb7: {  	[sflag:s24] =	ssyncadd.s32 $0xFFFFF380;
	s4 =	sadd.s32 s1, s9;
	s9 =	simm.s32 $0xD610  }
0xb8: {  	[hbm4b:s4+s2] =	stream.linear.scatter [tilespmem:s9], [sflag:$0x9], $0xC80, $0x38;
	[tilespmem:$0x1C520] =	vst v63  }
0xb9: {  	s21 =	sadd.s32 $0x190, s21;
	_ =	swait.ge [sflag:s24], $0xC80  }
0xba: {  	s4 =	sshrl.u32 s21, $0x3;
	[sflag:s24] =	ssyncset.done $0x0  }
0xbb: {  	s29 =	smov.u32 s28;
	s28 =	sadd.s32 s5, s4;
	[sflag:s24] =	ssyncadd.s32 $0xFFFFF380  }
0xbc: {  	[tilespmem:s2], [sflag:$0x9] =	stream.linear.gather [hbm4b:s28+s2], $0xC8, $0x38;
	[tilespmem:$0x1C520] =	vst v63  }
0xbd: {  	_ =	swait.ge [sflag:s24], $0xC8  }
0xbe: {  	[sflag:s24] =	ssyncset.done $0x0  }
0xbf: {  	s4 =	sadd.s32 s29, s4;
	[sflag:s24] =	ssyncadd.s32 $0xFFFFFF38  }
0xc0: {  	[tilespmem:s25], [sflag:$0x9] =	stream.linear.gather [hbm4b:s4+s2], $0xC8, $0x38;
	[tilespmem:$0x1C520] =	vst v63  }
0xc1: {  	_ =	swait.ge [sflag:s24], $0xC8  }
0xc2: {  	[sflag:s24] =	ssyncset.done $0x0  }
0xc3: {  	[sflag:s24] =	ssyncadd.s32 $0xFFFFFF38  }
0xc4: {  	[tilespmem:s30], [sflag:$0x1] =	stream.indirect.gather [hbm4b:s26+s25], $0x80, s2, s25, $0xb8;
	[tilespmem:$0x1C520] =	vst v63  }
0xc5: {  	_ = 	snop  }
0xc6: {  	[tilespmem:s3], [sflag:$0x2] =	stream.indirect.gather [hbm4b:s6+s25], $0x80, s25, s25, $0xb8;
	[tilespmem:$0x1C520] =	vst v63  }
0xc7: {  	_ = 	snop  }
0xc8: {  	[tilespmem:s8], [sflag:$0x3] =	stream.indirect.gather [hbm4b:s7+s25], $0x10, s2, s25, $0xb8;
	[tilespmem:$0x1C520] =	vst v63  }
0xc9: {  	_ = 	snop  }
0xca: {  	[tilespmem:s9], [sflag:$0x4] =	stream.indirect.gather [hbm4b:s7+s25], $0x10, s25, s25, $0xb8;
	[tilespmem:$0x1C520] =	vst v63  }
0xcb: {  	_ =	swait.ge [sflag:s15], $0x6400  }
0xcc: {  	[sflag:s15] =	ssyncset.done $0x0  }
0xcd: {  	[sflag:s15] =	ssyncadd.s32 $0xFFFF9C00  }
0xce: {  	_ =	swait.ge [sflag:s16], $0x6400  }
0xcf: {  	[sflag:s16] =	ssyncset.done $0x0  }
0xd0: {  	[sflag:s16] =	ssyncadd.s32 $0xFFFF9C00  }
0xd1: {  	_ =	swait.ge [sflag:s17], $0xC80  }
0xd2: {  	[sflag:s17] =	ssyncset.done $0x0  }
0xd3: {  	[sflag:s17] =	ssyncadd.s32 $0xFFFFF380  }
0xd4: {  	_ =	swait.ge [sflag:s18], $0xC80  }
0xd5: {  	s9 =	rddreg [dreg:$0x6];
	[sflag:s18] =	ssyncset.done $0x0  }
0xd6: {  	[sflag:s18] =	ssyncadd.s32 $0xFFFFF380;
	s4 =	sadd.s32 s19, s9  }
0xd7: {  	[hbm4b:s4+s2] =	stream.linear.scatter [tilespmem:s10], [sflag:$0x9], $0x6400, $0x38;
	[tilespmem:$0x1C520] =	vst v63  }
0xd8: {  	_ =	swait.ge [sflag:s24], $0x6400  }
0xd9: {  	s10 =	rddreg [dreg:$0x7];
	[sflag:s24] =	ssyncset.done $0x0  }
0xda: {  	[sflag:s24] =	ssyncadd.s32 $0xFFFF9C00;
	s4 =	sadd.s32 s19, s10  }
0xdb: {  	[hbm4b:s4+s2] =	stream.linear.scatter [tilespmem:s31], [sflag:$0x9], $0x6400, $0x38;
	[tilespmem:$0x1C520] =	vst v63  }
0xdc: {  	_ =	swait.ge [sflag:s24], $0x6400  }
0xdd: {  	p0 =	sne.s32 s20, $0x47E0;
	s9 =	rddreg [dreg:$0x4];
	[sflag:s24] =	ssyncset.done $0x0  }
0xde: {  	s20 =	sadd.s32 $0x320, s20;
	[sflag:s24] =	ssyncadd.s32 $0xFFFF9C00;
	s4 =	sadd.s32 s1, s9  }
0xdf: {  	[hbm4b:s4+s2] =	stream.linear.scatter [tilespmem:s0], [sflag:$0x9], $0xC80, $0x38;
	[tilespmem:$0x1C520] =	vst v63  }
0xe0: {  	s23 =	sadd.s32 $0x32, s23;
	s22 =	sadd.s32 $0x32, s22;
	_ =	swait.ge [sflag:s24], $0xC80  }
.Ltmp0:
0xe1: {  	s10 =	rddreg [dreg:$0x5];
	[sflag:s24] =	ssyncset.done $0x0;
	(pc) =	sbr.rel @p0 .LBB2_2-.Ltmp0, $4  }
0xe2: {  	s28 =	smov.u32 s29;
	[sflag:s24] =	ssyncadd.s32 $0xFFFFF380;
	s1 =	sadd.s32 s1, s10  }
0xe3: {  	[hbm4b:s1+s2] =	stream.linear.scatter [tilespmem:s11], [sflag:$0x9], $0xC80, $0x38;
	[tilespmem:$0x1C520] =	vst v63  }
0xe4: {  	s29 =	simm.s32 $0x190;
	s26 =	simm.s32 $0x6590;
	_ =	swait.ge [sflag:s24], $0xC80  }
0xe5: {  	s3 =	simm.s32 $0xC990;
	s8 =	simm.s32 $0xD610;
	[sflag:s24] =	ssyncset.done $0x0  }
0xe6: {  	[sflag:s24] =	ssyncadd.s32 $0xFFFFF380;
	s1 =	rddreg [dreg:$0x16];
	s10 =	simm.s32 $0xE290  }
0xe7: {  	[tilespmem:s10], [sflag:$0x9] =	stream.linear.gather [hbm4b:s1+s2], $0xC8, $0x38;
	[tilespmem:$0x1C520] =	vst v63  }
0xe8: {  	_ =	swait.ge [sflag:s24], $0xC8  }
0xe9: {  	[sflag:s24] =	ssyncset.done $0x0  }
0xea: {  	s19 =	simm.s32 $0xE358;
	s20 =	rddreg [dreg:$0x17];
	[sflag:s24] =	ssyncadd.s32 $0xFFFFFF38  }
0xeb: {  	[tilespmem:s19], [sflag:$0x9] =	stream.linear.gather [hbm4b:s20+s2], $0xC8, $0x38;
	[tilespmem:$0x1C520] =	vst v63  }
0xec: {  	_ =	swait.ge [sflag:s24], $0xC8  }
0xed: {  	[sflag:s24] =	ssyncset.done $0x0  }
0xee: {  	[sflag:s24] =	ssyncadd.s32 $0xFFFFFF38  }
0xef: {  	s4 =	simm.s32 $0xE420;
	s21 =	rddreg [dreg:$0x1]  }
0xf0: {  	[tilespmem:s4], [sflag:$0x5] =	stream.indirect.gather [hbm4b:s21+s25], $0x80, s10, s25, $0xb8;
	[tilespmem:$0x1C520] =	vst v63  }
0xf1: {  	s9 =	simm.s32 $0x14820  }
0xf2: {  	[tilespmem:s9], [sflag:$0x6] =	stream.indirect.gather [hbm4b:s6+s25], $0x80, s19, s25, $0xb8;
	[tilespmem:$0x1C520] =	vst v63  }
0xf3: {  	s0 =	simm.s32 $0x1AC20  }
0xf4: {  	[tilespmem:s0], [sflag:$0x7] =	stream.indirect.gather [hbm4b:s7+s25], $0x10, s10, s25, $0xb8;
	[tilespmem:$0x1C520] =	vst v63  }
0xf5: {  	s22 =	simm.s32 $0x1;
	s10 =	simm.s32 $0x1B8A0  }
0xf6: {  	[tilespmem:s10], [sflag:$0x8] =	stream.indirect.gather [hbm4b:s7+s25], $0x10, s19, s25, $0xb8;
	[tilespmem:$0x1C520] =	vst v63  }
0xf7: {  	_ =	swait.ge [sflag:s22], $0x6400  }
0xf8: {  	[sflag:s22] =	ssyncset.done $0x0  }
0xf9: {  	[sflag:s22] =	ssyncadd.s32 $0xFFFF9C00  }
0xfa: {  	_ =	swait.ge [sflag:s12], $0x6400  }
0xfb: {  	[sflag:s12] =	ssyncset.done $0x0  }
0xfc: {  	[sflag:s12] =	ssyncadd.s32 $0xFFFF9C00  }
0xfd: {  	_ =	swait.ge [sflag:s13], $0xC80  }
0xfe: {  	[sflag:s13] =	ssyncset.done $0x0  }
0xff: {  	[sflag:s13] =	ssyncadd.s32 $0xFFFFF380  }
0x100: {  	_ =	swait.ge [sflag:s14], $0xC80  }
0x101: {  	[sflag:s14] =	ssyncset.done $0x0  }
0x102: {  	s23 =	rddreg [dreg:$0xe];
	[sflag:s14] =	ssyncadd.s32 $0xFFFFF380  }
0x103: {  	[hbm4b:s23+s2] =	stream.linear.scatter [tilespmem:s29], [sflag:$0x9], $0x6400, $0x38;
	[tilespmem:$0x1C520] =	vst v63  }
0x104: {  	_ =	swait.ge [sflag:s24], $0x6400  }
0x105: {  	[sflag:s24] =	ssyncset.done $0x0  }
0x106: {  	s29 =	rddreg [dreg:$0xf];
	[sflag:s24] =	ssyncadd.s32 $0xFFFF9C00  }
0x107: {  	[hbm4b:s29+s2] =	stream.linear.scatter [tilespmem:s26], [sflag:$0x9], $0x6400, $0x38;
	[tilespmem:$0x1C520] =	vst v63  }
0x108: {  	_ =	swait.ge [sflag:s24], $0x6400  }
0x109: {  	[sflag:s24] =	ssyncset.done $0x0  }
0x10a: {  	s11 =	rddreg [dreg:$0x10];
	[sflag:s24] =	ssyncadd.s32 $0xFFFF9C00  }
0x10b: {  	[hbm4b:s11+s2] =	stream.linear.scatter [tilespmem:s3], [sflag:$0x9], $0xC80, $0x38;
	[tilespmem:$0x1C520] =	vst v63  }
0x10c: {  	_ =	swait.ge [sflag:s24], $0xC80  }
0x10d: {  	[sflag:s24] =	ssyncset.done $0x0  }
0x10e: {  	s19 =	rddreg [dreg:$0x11];
	[sflag:s24] =	ssyncadd.s32 $0xFFFFF380  }
0x10f: {  	[hbm4b:s19+s2] =	stream.linear.scatter [tilespmem:s8], [sflag:$0x9], $0xC80, $0x38;
	[tilespmem:$0x1C520] =	vst v63  }
0x110: {  	_ =	swait.ge [sflag:s24], $0xC80  }
0x111: {  	[sflag:s24] =	ssyncset.done $0x0  }
0x112: {  	[sflag:s24] =	ssyncadd.s32 $0xFFFFF380  }
0x113: {  	_ =	swait.ge [sflag:s15], $0x6400  }
0x114: {  	[sflag:s15] =	ssyncset.done $0x0  }
0x115: {  	[sflag:s15] =	ssyncadd.s32 $0xFFFF9C00  }
0x116: {  	_ =	swait.ge [sflag:s16], $0x6400  }
0x117: {  	[sflag:s16] =	ssyncset.done $0x0  }
0x118: {  	[sflag:s16] =	ssyncadd.s32 $0xFFFF9C00  }
0x119: {  	_ =	swait.ge [sflag:s17], $0xC80  }
0x11a: {  	[sflag:s17] =	ssyncset.done $0x0  }
0x11b: {  	[sflag:s17] =	ssyncadd.s32 $0xFFFFF380  }
0x11c: {  	_ =	swait.ge [sflag:s18], $0xC80  }
0x11d: {  	[sflag:s18] =	ssyncset.done $0x0  }
0x11e: {  	s20 =	rddreg [dreg:$0x14];
	[sflag:s18] =	ssyncadd.s32 $0xFFFFF380  }
0x11f: {  	[hbm4b:s20+s2] =	stream.linear.scatter [tilespmem:s4], [sflag:$0x9], $0x6400, $0x38;
	[tilespmem:$0x1C520] =	vst v63  }
0x120: {  	_ =	swait.ge [sflag:s24], $0x6400  }
0x121: {  	[sflag:s24] =	ssyncset.done $0x0  }
0x122: {  	s21 =	rddreg [dreg:$0x15];
	[sflag:s24] =	ssyncadd.s32 $0xFFFF9C00  }
0x123: {  	[hbm4b:s21+s2] =	stream.linear.scatter [tilespmem:s9], [sflag:$0x9], $0x6400, $0x38;
	[tilespmem:$0x1C520] =	vst v63  }
0x124: {  	_ =	swait.ge [sflag:s24], $0x6400  }
0x125: {  	[sflag:s24] =	ssyncset.done $0x0  }
0x126: {  	s22 =	rddreg [dreg:$0x12];
	[sflag:s24] =	ssyncadd.s32 $0xFFFF9C00  }
0x127: {  	[hbm4b:s22+s2] =	stream.linear.scatter [tilespmem:s0], [sflag:$0x9], $0xC80, $0x38;
	[tilespmem:$0x1C520] =	vst v63  }
0x128: {  	_ =	swait.ge [sflag:s24], $0xC80  }
0x129: {  	[sflag:s24] =	ssyncset.done $0x0  }
0x12a: {  	s23 =	rddreg [dreg:$0x13];
	[sflag:s24] =	ssyncadd.s32 $0xFFFFF380  }
0x12b: {  	[hbm4b:s23+s2] =	stream.linear.scatter [tilespmem:s10], [sflag:$0x9], $0xC80, $0x38;
	[tilespmem:$0x1C520] =	vst v63  }
0x12c: {  	_ =	swait.ge [sflag:s24], $0xC80  }
0x12d: {  	s26 =	rddreg [dreg:$0x1c]  }
0x12e: {  	s29 =	rddreg [dreg:$0x18];
	s0 =	sadd.s32 $0x1, s26  }
0x12f: {  	p0 =	sne.s32 s0, s29  }
.Ltmp1:
0x130: {  	_ = 	snop;
	(pc) =	sbr.rel @p0 .LBB2_1-.Ltmp1, $3  }
0x131: {  	_ =	sdelay $0x1  }
0x132: {  	[sflag:s24] =	ssyncset.done $0x0  }
0x133: {  	[sflag:s24] =	ssyncadd.s32 $0xFFFFF380  }
0x134: {  	_ =	sfence.sel $0x180000  }
0x135: {  	[bflag:$0x0] =	sbarrier.arrive $0xFFFF  }
0x136: {  	_ =	strace $0x90000047  }
0x137: {  	s0 =	stileid.u32;
	[bflag:$0x2] =	sbarrier.arrive $0xFFFF  }
0x138: {  	p0 =	sne.s32 s0, $0x0;
	s0 =	rddreg [dreg:$0x3]  }
0x139: {  	s0 =	sadd.s32 @!p0 $0x100000, s0  }
0x13a: {  	[sflag:s0] =	ssyncadd.tile.s32 @!p0 $0x1;
	_ =	shalt  }
.Lfunc_end2:
_tile_overlayer_lowered:
.L_overlay_start_2:
0x13b: {  	(tag) =	ssettag $0x2  }
0x13c: {  	s0 =	rddreg [dreg:$0x0];
	s2 =	stileid.u32  }
0x13d: {  	s1 =	rddreg [dreg:$0x1];
	p0 =	sne.s32 s2, $0x0  }
0x13e: {  	s3 =	rddreg [dreg:$0x2];
	[bflag:$0x3] =	sbarrier.arrive $0xFFFF;
	s2 =	simm.s32 @!p0 $0x1C09  }
0x13f: {  	[timem:s3], [sflag:s2] =	dma.local @!p0 [hbm:s0], s1  }
0x140: {  	s0 =	simm.s32 @!p0 $0x9  }
0x141: {  	_ =	swait.ge @!p0 [sflag:s0], s1  }
0x142: {  	s1 =	ssub.s32 @!p0 $0x0, s1;
	[sflag:s0] =	ssyncset.done @!p0 $0x0  }
0x143: {  	[sflag:s0] =	ssyncadd.s32 @!p0 s1  }
0x144: {  	[bflag:$0x3] =	sbarrier.arrive $0xFFFF  }
0x145: {  	_ =	shalt  }

</sc_bundles>
